<compile_context>
chip_gen: v7x
topology: tpu7x:2x2x1
jax: 0.10.2.dev20260603
libtpu: 0.0.44.dev20260713+nightly
codegen_flags: <defaults>
</compile_context>

<pallas_src>
import functools

import jax
import jax.numpy as jnp
from jax import lax
from jax.experimental import pallas as pl
from jax.experimental.pallas import tpu as pltpu
from jax.experimental.pallas import tpu_sc as plsc


def _scores_kernel(am_ref, bm_ref, nm_ref, ni_ref):
    a = am_ref[0]
    b = bm_ref[0]
    T = b.shape[0]
    RT = a.shape[0]
    s = lax.dot_general(
        a, b, (((1,), (1,)), ((), ())),
        preferred_element_type=jnp.float32)
    nm = jnp.max(s, axis=1)
    jj = lax.broadcasted_iota(jnp.int32, (RT, T), 1)
    ni = jnp.min(jnp.where(s == nm[:, None], jj, T), axis=1)
    nm_ref[0, 0] = nm
    ni_ref[0, 0] = ni.astype(jnp.int32)


def _rank_kernel(nmf_ref, nmt_ref, rank_ref, *, RT):
    nmf = nmf_ref[0, 0]
    nmt = nmt_ref[0, 0]
    T = nmf.shape[0]
    base = pl.program_id(1) * RT
    jj = lax.broadcasted_iota(jnp.int32, (RT, T), 1)
    ii = lax.broadcasted_iota(jnp.int32, (RT, T), 0) + base
    m_i = nmt[:, None]
    m_j = nmf[None, :]
    gt = (m_j > m_i) | ((m_j == m_i) & (jj < ii))
    rank_ref[0, 0] = jnp.sum(gt.astype(jnp.int32), axis=1)


def _plan_kernel(rankf_ref, nif_ref, perm_ref, dstrow_ref, *, RT, r):
    rankf = rankf_ref[0, 0]
    nif = nif_ref[0, 0]
    T = rankf.shape[0]
    base = pl.program_id(1) * RT
    pp = lax.broadcasted_iota(jnp.int32, (RT, T), 0) + base
    jj = lax.broadcasted_iota(jnp.int32, (RT, T), 1)
    onehot = (rankf[None, :] == pp).astype(jnp.float32)
    perm = jnp.sum(onehot * jj.astype(jnp.float32), axis=1).astype(jnp.int32)
    dstrow = jnp.sum(onehot * nif.astype(jnp.float32)[None, :],
                     axis=1).astype(jnp.int32)
    perm_ref[0, 0] = perm + pl.program_id(0) * T
    dstrow_ref[0, 0] = dstrow


def _make_merge(B, T, C, r, CP):
    unm_len = T - r
    out_rows = 2 * T - r
    NC, NS = 2, 16
    BPC = B // NC
    MTOK = r // NS
    UTOK = unm_len // NS
    DROW = T // NS
    CW = C // 16

    mesh = plsc.VectorSubcoreMesh(core_axis_name="c", subcore_axis_name="s")

    @functools.partial(
        pl.kernel, mesh=mesh,
        out_type=jax.ShapeDtypeStruct((B * out_rows, C), jnp.float32),
        scratch_types=[
            pltpu.VMEM((MTOK,), jnp.int32),
            pltpu.VMEM((MTOK,), jnp.int32),
            pltpu.VMEM((MTOK, CP), jnp.float32),
            pltpu.VMEM((UTOK,), jnp.int32),
            pltpu.VMEM((UTOK, CP), jnp.float32),
            pltpu.VMEM((DROW, CP), jnp.float32),
            pltpu.VMEM((DROW, C), jnp.float32),
            pltpu.VMEM_SHARED((T, CP), jnp.float32),
            pltpu.SemaphoreType.DMA,
        ],
    )
    def merge(a2_hbm, b2_hbm, perm_hbm, dstrow_hbm, out_hbm,
              sidx_v, didx_v, srows_v, uidx_v, urows_v, drows_v, nrows_v,
              accum_sh, sem):
        cid = lax.axis_index("c")
        sid = lax.axis_index("s")

        def batch_body(bb, carry):
            b = cid * BPC + bb
            pltpu.sync_copy(b2_hbm.at[pl.ds(b * T + sid * DROW, DROW)],
                            drows_v)
            pltpu.sync_copy(drows_v, accum_sh.at[pl.ds(sid * DROW, DROW)])
            pltpu.sync_copy(
                perm_hbm.at[b, 0, pl.ds(r + sid * UTOK, UTOK)], uidx_v)
            pltpu.async_copy(a2_hbm.at[uidx_v], urows_v, sem).wait()

            def unm_body(i, c2):
                for cw in range(CW):
                    nrows_v[i, pl.ds(cw * 16, 16)] = (
                        urows_v[i, pl.ds(cw * 16, 16)])
                return c2

            lax.fori_loop(0, UTOK, unm_body, 0)
            pltpu.sync_copy(
                nrows_v.at[pl.ds(0, UTOK)],
                out_hbm.at[pl.ds(b * out_rows + sid * UTOK, UTOK)])
            plsc.subcore_barrier()
            pltpu.sync_copy(
                perm_hbm.at[b, 0, pl.ds(sid * MTOK, MTOK)], sidx_v)
            pltpu.sync_copy(
                dstrow_hbm.at[b, 0, pl.ds(sid * MTOK, MTOK)], didx_v)
            pltpu.async_copy(a2_hbm.at[sidx_v], srows_v, sem).wait()
            pltpu.sync_copy(srows_v, accum_sh.at[didx_v], add=True)
            plsc.subcore_barrier()
            pltpu.sync_copy(accum_sh.at[pl.ds(sid * DROW, DROW)], drows_v)

            def row_body(i, c2):
                cv = drows_v[i, pl.ds(C, 16)]
                sv = 1.0 / cv
                s = sv[0]
                for cw in range(CW):
                    nrows_v[i, pl.ds(cw * 16, 16)] = (
                        drows_v[i, pl.ds(cw * 16, 16)] * s)
                return c2

            lax.fori_loop(0, DROW, row_body, 0)
            pltpu.sync_copy(
                nrows_v,
                out_hbm.at[pl.ds(b * out_rows + unm_len + sid * DROW, DROW)])
            plsc.subcore_barrier()
            return carry

        lax.fori_loop(0, BPC, batch_body, 0)

    return merge


def kernel(points):
    B, N, C = points.shape
    T = N // 2
    r = min(N - 3072, T)
    x = points.reshape(B, T, 2, C)
    a = x[:, :, 0, :]
    b = x[:, :, 1, :]
    metric = points / jnp.linalg.norm(points, axis=-1, keepdims=True)
    xm = metric.reshape(B, T, 2, C)
    am = xm[:, :, 0, :]
    bm = xm[:, :, 1, :]

    RT = 512
    NT = T // RT
    node_max, node_idx = pl.pallas_call(
        _scores_kernel,
        grid=(B, NT),
        in_specs=[
            pl.BlockSpec((1, RT, C), lambda b, t: (b, t, 0)),
            pl.BlockSpec((1, T, C), lambda b, t: (b, 0, 0)),
        ],
        out_specs=[
            pl.BlockSpec((1, 1, RT), lambda b, t: (b, 0, t)),
            pl.BlockSpec((1, 1, RT), lambda b, t: (b, 0, t)),
        ],
        out_shape=[
            jax.ShapeDtypeStruct((B, 1, T), jnp.float32),
            jax.ShapeDtypeStruct((B, 1, T), jnp.int32),
        ],
    )(am, bm)

    rank = pl.pallas_call(
        functools.partial(_rank_kernel, RT=RT),
        grid=(B, NT),
        in_specs=[
            pl.BlockSpec((1, 1, T), lambda b, t: (b, 0, 0)),
            pl.BlockSpec((1, 1, RT), lambda b, t: (b, 0, t)),
        ],
        out_specs=pl.BlockSpec((1, 1, RT), lambda b, t: (b, 0, t)),
        out_shape=jax.ShapeDtypeStruct((B, 1, T), jnp.int32),
    )(node_max, node_max)

    perm, dstrow = pl.pallas_call(
        functools.partial(_plan_kernel, RT=RT, r=r),
        grid=(B, NT),
        in_specs=[
            pl.BlockSpec((1, 1, T), lambda b, t: (b, 0, 0)),
            pl.BlockSpec((1, 1, T), lambda b, t: (b, 0, 0)),
        ],
        out_specs=[
            pl.BlockSpec((1, 1, RT), lambda b, t: (b, 0, t)),
            pl.BlockSpec((1, 1, RT), lambda b, t: (b, 0, t)),
        ],
        out_shape=[
            jax.ShapeDtypeStruct((B, 1, T), jnp.int32),
            jax.ShapeDtypeStruct((B, 1, T), jnp.int32),
        ],
    )(rank, node_idx)

    CP = 128
    one = jnp.ones((B * T, 1), jnp.float32)
    zpad = jnp.zeros((B * T, CP - C - 1), jnp.float32)
    a2p = jnp.concatenate([a.reshape(B * T, C), one, zpad], axis=1)
    b2p = jnp.concatenate([b.reshape(B * T, C), one, zpad], axis=1)
    merge = _make_merge(B, T, C, r, CP)
    out2 = merge(a2p, b2p, perm, dstrow)
    return out2.reshape(B, 2 * T - r, C)

# --- scband reference (transcript-rebuilt; emitter-appended) ---
"""Pipeline reference for scband-merge-24300924961395 (READ-ONLY COPY).

The authoritative reference and input builder live on the scoring server;
editing this copy changes nothing except your own understanding.
"""

import jax, jax.numpy as jnp
import numpy as np

NPOINT = 3072
COMPRESS = False


def setup_inputs(seed: int = 0) -> dict:
    key = jax.random.key(seed)
    points = jax.random.normal(key, (16, 4096, 64), dtype=jnp.float32)
    return {"points": points}


def _matching(points, r):
    # ToMe bipartite soft matching (indices only; mirrors torch.no_grad block)
    metric = points / jnp.linalg.norm(points, axis=-1, keepdims=True)
    a = metric[:, ::2, :]
    b = metric[:, 1::2, :]
    scores = jnp.einsum('btc,bsc->bts', a, b)
    node_max = jnp.max(scores, axis=-1)
    node_idx = jnp.argmax(scores, axis=-1)
    edge_idx = jnp.argsort(-node_max, axis=-1)  # descending
    unm_idx = edge_idx[:, r:]
    src_idx = edge_idx[:, :r]
    dst_idx = jnp.take_along_axis(node_idx, src_idx, axis=-1)
    return unm_idx, src_idx, dst_idx


def _merge(x, unm_idx, src_idx, dst_idx):
    src = x[:, ::2, :]
    dst = x[:, 1::2, :]
    B, t2, C = dst.shape
    unm = jnp.take_along_axis(src, unm_idx[..., None], axis=1)
    src_sel = jnp.take_along_axis(src, src_idx[..., None], axis=1)
    bidx = jnp.arange(B)[:, None]
    # scatter_reduce(reduce='mean', include_self=True)
    summed = dst.at[bidx, dst_idx, :].add(src_sel)
    cnt = jnp.ones((B, t2), dtype=x.dtype).at[bidx, dst_idx].add(1.0)
    dst_m = summed / cnt[..., None]
    return jnp.concatenate([unm, dst_m], axis=1)


def _unmerge(x, unm_idx, src_idx, dst_idx, N):
    unm_len = unm_idx.shape[1]
    unm = x[:, :unm_len, :]
    dst = x[:, unm_len:, :]
    B, _, C = unm.shape
    src = jnp.take_along_axis(dst, dst_idx[..., None], axis=1)
    out = jnp.zeros((B, N, C), dtype=x.dtype)
    out = out.at[:, 1::2, :].set(dst)
    bidx = jnp.arange(B)[:, None]
    out = out.at[bidx, 2 * unm_idx, :].set(unm)
    out = out.at[bidx, 2 * src_idx, :].set(src)
    return out


def reference(points):
    B, N, C = points.shape
    r = min(N - NPOINT, N // 2)
    unm_idx, src_idx, dst_idx = _matching(points, r)
    merged = _merge(points, unm_idx, src_idx, dst_idx)
    if COMPRESS:
        compressed = _unmerge(merged, unm_idx, src_idx, dst_idx, N)
        return (merged, compressed)
    # compress=False -> torch module returns (merged, None); return merged array
    return merged

if __name__ == "__main__":
    import jax
    _d = setup_inputs()
    print(jax.jit(kernel)(*tuple(_d.values())))

</pallas_src>

<mosaic_0001>
#map = affine_map<(d0, d1) -> (0, 0)>
#map1 = affine_map<(d0, d1) -> (0, 0, 0)>
module attributes {stable_mosaic.version = 14 : i64} {
  func.func @merge(%arg0: i32, %arg1: i32, %arg2: memref<32768x128xf32, #tpu.memory_space<hbm>>, %arg3: memref<32768x128xf32, #tpu.memory_space<hbm>>, %arg4: memref<16x1x2048xi32, #tpu.memory_space<hbm>>, %arg5: memref<16x1x2048xi32, #tpu.memory_space<hbm>>, %arg6: memref<49152x64xf32, #tpu.memory_space<hbm>>, %arg7: memref<64xi32, #tpu.memory_space<vmem>>, %arg8: memref<64xi32, #tpu.memory_space<vmem>>, %arg9: memref<64x128xf32, #tpu.memory_space<vmem>>, %arg10: memref<64xi32, #tpu.memory_space<vmem>>, %arg11: memref<64x128xf32, #tpu.memory_space<vmem>>, %arg12: memref<128x128xf32, #tpu.memory_space<vmem>>, %arg13: memref<128x64xf32, #tpu.memory_space<vmem>>, %arg14: memref<2048x128xf32, #tpu.memory_space<vmem_shared>>, %arg15: memref<!tpu.dma_semaphore, #tpu.memory_space<semaphore_mem>>) attributes {dimension_semantics = [#tpu.dimension_semantics<core_parallel>, #tpu.dimension_semantics<subcore_parallel>], iteration_bounds = array<i64: 2, 16>, scalar_prefetch = 0 : i64, scratch_operands = 9 : i64, tpu.core_type = #tpu.core_type<sc_vector_subcore>, window_params = [{transform_indices = #map}, {transform_indices = #map}, {transform_indices = #map1}, {transform_indices = #map1}, {transform_indices = #map}]} {
    %scan3A = arith.constant 0 : i32
    %scan3A_0 = arith.constant 0 : i32
    %scan3A_1 = arith.constant 8 : i32
    %scan3A_2 = arith.addi %scan3A_0, %scan3A_1 : i32
    %scan3A_3 = arith.constant 1 : i32
    scf.for %scan3A_5 = %scan3A_0 to %scan3A_2 step %scan3A_3  : i32 {
      %mul3A = arith.constant 8 : i32
      %mul3A_6 = arith.muli %arg0, %mul3A : i32
      %add3A = arith.addi %mul3A_6, %scan3A_5 : i32
      %mul3A_7 = arith.constant 2048 : i32
      %mul3A_8 = arith.muli %add3A, %mul3A_7 : i32
      %mul3A_9 = arith.constant 128 : i32
      %mul3A_10 = arith.muli %arg1, %mul3A_9 : i32
      %add3A_11 = arith.addi %mul3A_8, %mul3A_10 : i32
      "tpu.region"() ({
        %run_scoped3A_62 = tpu.sem_alloc : memref<!tpu.dma_semaphore, #tpu.memory_space<semaphore_mem>>
        %dma_start3A_63 = arith.constant 0 : i32
        %dma_start3A_64 = tpu.memref_slice %arg3[%add3A_11, %dma_start3A_63] : memref<32768x128xf32, #tpu.memory_space<hbm>> -> memref<128x128xf32, #tpu.memory_space<hbm>>
        %dma_start3A_65 = arith.constant 0 : i32
        %dma_start3A_66 = tpu.memref_slice %arg3[%add3A_11, %dma_start3A_65] : memref<32768x128xf32, #tpu.memory_space<hbm>> -> memref<128x128xf32, #tpu.memory_space<hbm>>
        tpu.enqueue_dma source(%dma_start3A_66 : memref<128x128xf32, #tpu.memory_space<hbm>>) target(%arg12 : memref<128x128xf32, #tpu.memory_space<vmem>>) target_semaphore(%run_scoped3A_62 : memref<!tpu.dma_semaphore, #tpu.memory_space<semaphore_mem>>)
        %dma_wait3A_67 = arith.constant 0 : i32
        %dma_wait3A_68 = tpu.memref_slice %arg3[%add3A_11, %dma_wait3A_67] : memref<32768x128xf32, #tpu.memory_space<hbm>> -> memref<128x128xf32, #tpu.memory_space<hbm>>
        %dma_wait3A_69 = arith.constant 0 : i32
        %dma_wait3A_70 = tpu.memref_slice %arg3[%add3A_11, %dma_wait3A_69] : memref<32768x128xf32, #tpu.memory_space<hbm>> -> memref<128x128xf32, #tpu.memory_space<hbm>>
        tpu.wait_dma2 semaphore(%run_scoped3A_62 : memref<!tpu.dma_semaphore, #tpu.memory_space<semaphore_mem>>) src(%dma_wait3A_70 : memref<128x128xf32, #tpu.memory_space<hbm>>) dst(%arg12 : memref<128x128xf32, #tpu.memory_space<vmem>>)
        tpu.yield
      }) : () -> ()
      %mul3A_12 = arith.constant 128 : i32
      %mul3A_13 = arith.muli %arg1, %mul3A_12 : i32
      "tpu.region"() ({
        %run_scoped3A_62 = tpu.sem_alloc : memref<!tpu.dma_semaphore, #tpu.memory_space<semaphore_mem>>
        %dma_start3A_63 = arith.constant 0 : i32
        %dma_start3A_64 = tpu.memref_slice %arg14[%mul3A_13, %dma_start3A_63] : memref<2048x128xf32, #tpu.memory_space<vmem_shared>> -> memref<128x128xf32, #tpu.memory_space<vmem_shared>>
        %dma_start3A_65 = arith.constant 0 : i32
        %dma_start3A_66 = tpu.memref_slice %arg14[%mul3A_13, %dma_start3A_65] : memref<2048x128xf32, #tpu.memory_space<vmem_shared>> -> memref<128x128xf32, #tpu.memory_space<vmem_shared>>
        tpu.enqueue_dma source(%arg12 : memref<128x128xf32, #tpu.memory_space<vmem>>) target(%dma_start3A_66 : memref<128x128xf32, #tpu.memory_space<vmem_shared>>) target_semaphore(%run_scoped3A_62 : memref<!tpu.dma_semaphore, #tpu.memory_space<semaphore_mem>>)
        %dma_wait3A_67 = arith.constant 0 : i32
        %dma_wait3A_68 = tpu.memref_slice %arg14[%mul3A_13, %dma_wait3A_67] : memref<2048x128xf32, #tpu.memory_space<vmem_shared>> -> memref<128x128xf32, #tpu.memory_space<vmem_shared>>
        %dma_wait3A_69 = arith.constant 0 : i32
        %dma_wait3A_70 = tpu.memref_slice %arg14[%mul3A_13, %dma_wait3A_69] : memref<2048x128xf32, #tpu.memory_space<vmem_shared>> -> memref<128x128xf32, #tpu.memory_space<vmem_shared>>
        tpu.wait_dma2 semaphore(%run_scoped3A_62 : memref<!tpu.dma_semaphore, #tpu.memory_space<semaphore_mem>>) src(%arg12 : memref<128x128xf32, #tpu.memory_space<vmem>>) dst(%dma_wait3A_70 : memref<128x128xf32, #tpu.memory_space<vmem_shared>>)
        tpu.yield
      }) : () -> ()
      %mul3A_14 = arith.constant 64 : i32
      %mul3A_15 = arith.muli %arg1, %mul3A_14 : i32
      %add3A_16 = arith.constant 1024 : i32
      %add3A_17 = arith.addi %add3A_16, %mul3A_15 : i32
      %run_scoped3A = arith.constant 0 : i32
      "tpu.region"() ({
        %run_scoped3A_62 = tpu.sem_alloc : memref<!tpu.dma_semaphore, #tpu.memory_space<semaphore_mem>>
        %dma_start3A_63 = tpu.memref_slice %arg4[%add3A, %run_scoped3A, %add3A_17] : memref<16x1x2048xi32, #tpu.memory_space<hbm>> -> memref<1x1x64xi32, #tpu.memory_space<hbm>>
        %dma_start3A_64 = tpu.memref_squeeze %dma_start3A_63 : memref<1x1x64xi32, #tpu.memory_space<hbm>> -> memref<64xi32, #tpu.memory_space<hbm>>
        %dma_start3A_65 = tpu.memref_slice %arg4[%add3A, %run_scoped3A, %add3A_17] : memref<16x1x2048xi32, #tpu.memory_space<hbm>> -> memref<1x1x64xi32, #tpu.memory_space<hbm>>
        %dma_start3A_66 = tpu.memref_squeeze %dma_start3A_65 : memref<1x1x64xi32, #tpu.memory_space<hbm>> -> memref<64xi32, #tpu.memory_space<hbm>>
        tpu.enqueue_dma source(%dma_start3A_66 : memref<64xi32, #tpu.memory_space<hbm>>) target(%arg10 : memref<64xi32, #tpu.memory_space<vmem>>) target_semaphore(%run_scoped3A_62 : memref<!tpu.dma_semaphore, #tpu.memory_space<semaphore_mem>>)
        %dma_wait3A_67 = tpu.memref_slice %arg4[%add3A, %run_scoped3A, %add3A_17] : memref<16x1x2048xi32, #tpu.memory_space<hbm>> -> memref<1x1x64xi32, #tpu.memory_space<hbm>>
        %dma_wait3A_68 = tpu.memref_squeeze %dma_wait3A_67 : memref<1x1x64xi32, #tpu.memory_space<hbm>> -> memref<64xi32, #tpu.memory_space<hbm>>
        %dma_wait3A_69 = tpu.memref_slice %arg4[%add3A, %run_scoped3A, %add3A_17] : memref<16x1x2048xi32, #tpu.memory_space<hbm>> -> memref<1x1x64xi32, #tpu.memory_space<hbm>>
        %dma_wait3A_70 = tpu.memref_squeeze %dma_wait3A_69 : memref<1x1x64xi32, #tpu.memory_space<hbm>> -> memref<64xi32, #tpu.memory_space<hbm>>
        tpu.wait_dma2 semaphore(%run_scoped3A_62 : memref<!tpu.dma_semaphore, #tpu.memory_space<semaphore_mem>>) src(%dma_wait3A_70 : memref<64xi32, #tpu.memory_space<hbm>>) dst(%arg10 : memref<64xi32, #tpu.memory_space<vmem>>)
        tpu.yield
      }) : () -> ()
      %dma_start3A = arith.constant 0 : i32
      %dma_start3A_18 = arith.constant 0 : i32
      %dma_start3A_19 = tpu.memref_slice %arg2[%dma_start3A, %dma_start3A_18] : memref<32768x128xf32, #tpu.memory_space<hbm>> -> memref<32768x128xf32, #tpu.memory_space<hbm>>
      tpu.enqueue_indirect_dma source(%dma_start3A_19 : memref<32768x128xf32, #tpu.memory_space<hbm>>) target(%arg11 : memref<64x128xf32, #tpu.memory_space<vmem>>) offsets(%arg10 : memref<64xi32, #tpu.memory_space<vmem>>) semaphore(%arg15 : memref<!tpu.dma_semaphore, #tpu.memory_space<semaphore_mem>>)
      %dma_wait3A = arith.constant 0 : i32
      %dma_wait3A_20 = arith.constant 0 : i32
      %dma_wait3A_21 = tpu.memref_slice %arg2[%dma_wait3A, %dma_wait3A_20] : memref<32768x128xf32, #tpu.memory_space<hbm>> -> memref<32768x128xf32, #tpu.memory_space<hbm>>
      tpu.wait_indirect_dma semaphore(%arg15 : memref<!tpu.dma_semaphore, #tpu.memory_space<semaphore_mem>>) src(%dma_wait3A_21 : memref<32768x128xf32, #tpu.memory_space<hbm>>) dst(%arg11 : memref<64x128xf32, #tpu.memory_space<vmem>>)
      %scan3A_22 = arith.constant 0 : i32
      %scan3A_23 = arith.constant 0 : i32
      %scan3A_24 = arith.constant 64 : i32
      %scan3A_25 = arith.addi %scan3A_23, %scan3A_24 : i32
      %scan3A_26 = arith.constant 1 : i32
      scf.for %scan3A_62 = %scan3A_23 to %scan3A_25 step %scan3A_26  : i32 {
        %get3A = arith.index_cast %scan3A_62 : i32 to index
        %get3A_63 = arith.constant 0 : index
        %get3A_64 = tpu.vector_load %arg11[%get3A, %get3A_63] {strides = array<i32>} : memref<64x128xf32, #tpu.memory_space<vmem>>, vector<1x16xf32>,
        %get3A_65 = vector.shape_cast %get3A_64 : vector<1x16xf32> to vector<16xf32>
        %swap3A = arith.index_cast %scan3A_62 : i32 to index
        %swap3A_66 = arith.constant 0 : index
        %swap3A_67 = tpu.vector_load %arg13[%swap3A, %swap3A_66] {strides = array<i32>} : memref<128x64xf32, #tpu.memory_space<vmem>>, vector<1x16xf32>,
        %swap3A_68 = vector.shape_cast %swap3A_67 : vector<1x16xf32> to vector<16xf32>
        %swap3A_69 = vector.shape_cast %get3A_65 : vector<16xf32> to vector<1x16xf32>
        tpu.vector_store %arg13[%swap3A, %swap3A_66], %swap3A_69 {strides = array<i32>} : memref<128x64xf32, #tpu.memory_space<vmem>>, vector<1x16xf32>,
        %get3A_70 = arith.index_cast %scan3A_62 : i32 to index
        %get3A_71 = arith.constant 16 : index
        %get3A_72 = tpu.vector_load %arg11[%get3A_70, %get3A_71] {strides = array<i32>} : memref<64x128xf32, #tpu.memory_space<vmem>>, vector<1x16xf32>,
        %get3A_73 = vector.shape_cast %get3A_72 : vector<1x16xf32> to vector<16xf32>
        %swap3A_74 = arith.index_cast %scan3A_62 : i32 to index
        %swap3A_75 = arith.constant 16 : index
        %swap3A_76 = tpu.vector_load %arg13[%swap3A_74, %swap3A_75] {strides = array<i32>} : memref<128x64xf32, #tpu.memory_space<vmem>>, vector<1x16xf32>,
        %swap3A_77 = vector.shape_cast %swap3A_76 : vector<1x16xf32> to vector<16xf32>
        %swap3A_78 = vector.shape_cast %get3A_73 : vector<16xf32> to vector<1x16xf32>
        tpu.vector_store %arg13[%swap3A_74, %swap3A_75], %swap3A_78 {strides = array<i32>} : memref<128x64xf32, #tpu.memory_space<vmem>>, vector<1x16xf32>,
        %get3A_79 = arith.index_cast %scan3A_62 : i32 to index
        %get3A_80 = arith.constant 32 : index
        %get3A_81 = tpu.vector_load %arg11[%get3A_79, %get3A_80] {strides = array<i32>} : memref<64x128xf32, #tpu.memory_space<vmem>>, vector<1x16xf32>,
        %get3A_82 = vector.shape_cast %get3A_81 : vector<1x16xf32> to vector<16xf32>
        %swap3A_83 = arith.index_cast %scan3A_62 : i32 to index
        %swap3A_84 = arith.constant 32 : index
        %swap3A_85 = tpu.vector_load %arg13[%swap3A_83, %swap3A_84] {strides = array<i32>} : memref<128x64xf32, #tpu.memory_space<vmem>>, vector<1x16xf32>,
        %swap3A_86 = vector.shape_cast %swap3A_85 : vector<1x16xf32> to vector<16xf32>
        %swap3A_87 = vector.shape_cast %get3A_82 : vector<16xf32> to vector<1x16xf32>
        tpu.vector_store %arg13[%swap3A_83, %swap3A_84], %swap3A_87 {strides = array<i32>} : memref<128x64xf32, #tpu.memory_space<vmem>>, vector<1x16xf32>,
        %get3A_88 = arith.index_cast %scan3A_62 : i32 to index
        %get3A_89 = arith.constant 48 : index
        %get3A_90 = tpu.vector_load %arg11[%get3A_88, %get3A_89] {strides = array<i32>} : memref<64x128xf32, #tpu.memory_space<vmem>>, vector<1x16xf32>,
        %get3A_91 = vector.shape_cast %get3A_90 : vector<1x16xf32> to vector<16xf32>
        %swap3A_92 = arith.index_cast %scan3A_62 : i32 to index
        %swap3A_93 = arith.constant 48 : index
        %swap3A_94 = tpu.vector_load %arg13[%swap3A_92, %swap3A_93] {strides = array<i32>} : memref<128x64xf32, #tpu.memory_space<vmem>>, vector<1x16xf32>,
        %swap3A_95 = vector.shape_cast %swap3A_94 : vector<1x16xf32> to vector<16xf32>
        %swap3A_96 = vector.shape_cast %get3A_91 : vector<16xf32> to vector<1x16xf32>
        tpu.vector_store %arg13[%swap3A_92, %swap3A_93], %swap3A_96 {strides = array<i32>} : memref<128x64xf32, #tpu.memory_space<vmem>>, vector<1x16xf32>,
      }
      %scan3A_27 = arith.constant 64 : i32
      %mul3A_28 = arith.constant 3072 : i32
      %mul3A_29 = arith.muli %add3A, %mul3A_28 : i32
      %mul3A_30 = arith.constant 64 : i32
      %mul3A_31 = arith.muli %arg1, %mul3A_30 : i32
      %add3A_32 = arith.addi %mul3A_29, %mul3A_31 : i32
      "tpu.region"() ({
        %run_scoped3A_62 = tpu.sem_alloc : memref<!tpu.dma_semaphore, #tpu.memory_space<semaphore_mem>>
        %dma_start3A_63 = arith.constant 0 : i32
        %dma_start3A_64 = arith.constant 0 : i32
        %dma_start3A_65 = tpu.memref_slice %arg13[%dma_start3A_63, %dma_start3A_64] : memref<128x64xf32, #tpu.memory_space<vmem>> -> memref<64x64xf32, #tpu.memory_space<vmem>>
        %dma_start3A_66 = arith.constant 0 : i32
        %dma_start3A_67 = tpu.memref_slice %arg6[%add3A_32, %dma_start3A_66] : memref<49152x64xf32, #tpu.memory_space<hbm>> -> memref<64x64xf32, #tpu.memory_space<hbm>>
        %dma_start3A_68 = arith.constant 0 : i32
        %dma_start3A_69 = tpu.memref_slice %arg6[%add3A_32, %dma_start3A_68] : memref<49152x64xf32, #tpu.memory_space<hbm>> -> memref<64x64xf32, #tpu.memory_space<hbm>>
        %dma_start3A_70 = arith.constant 0 : i32
        %dma_start3A_71 = arith.constant 0 : i32
        %dma_start3A_72 = tpu.memref_slice %arg13[%dma_start3A_70, %dma_start3A_71] : memref<128x64xf32, #tpu.memory_space<vmem>> -> memref<64x64xf32, #tpu.memory_space<vmem>>
        tpu.enqueue_dma source(%dma_start3A_72 : memref<64x64xf32, #tpu.memory_space<vmem>>) target(%dma_start3A_69 : memref<64x64xf32, #tpu.memory_space<hbm>>) target_semaphore(%run_scoped3A_62 : memref<!tpu.dma_semaphore, #tpu.memory_space<semaphore_mem>>)
        %dma_wait3A_73 = arith.constant 0 : i32
        %dma_wait3A_74 = arith.constant 0 : i32
        %dma_wait3A_75 = tpu.memref_slice %arg13[%dma_wait3A_73, %dma_wait3A_74] : memref<128x64xf32, #tpu.memory_space<vmem>> -> memref<64x64xf32, #tpu.memory_space<vmem>>
        %dma_wait3A_76 = arith.constant 0 : i32
        %dma_wait3A_77 = tpu.memref_slice %arg6[%add3A_32, %dma_wait3A_76] : memref<49152x64xf32, #tpu.memory_space<hbm>> -> memref<64x64xf32, #tpu.memory_space<hbm>>
        %dma_wait3A_78 = arith.constant 0 : i32
        %dma_wait3A_79 = tpu.memref_slice %arg6[%add3A_32, %dma_wait3A_78] : memref<49152x64xf32, #tpu.memory_space<hbm>> -> memref<64x64xf32, #tpu.memory_space<hbm>>
        %dma_wait3A_80 = arith.constant 0 : i32
        %dma_wait3A_81 = arith.constant 0 : i32
        %dma_wait3A_82 = tpu.memref_slice %arg13[%dma_wait3A_80, %dma_wait3A_81] : memref<128x64xf32, #tpu.memory_space<vmem>> -> memref<64x64xf32, #tpu.memory_space<vmem>>
        tpu.wait_dma2 semaphore(%run_scoped3A_62 : memref<!tpu.dma_semaphore, #tpu.memory_space<semaphore_mem>>) src(%dma_wait3A_82 : memref<64x64xf32, #tpu.memory_space<vmem>>) dst(%dma_wait3A_79 : memref<64x64xf32, #tpu.memory_space<hbm>>)
        tpu.yield
      }) : () -> ()
      %barrier3A = arith.constant 0 : index
      tpu.barrier barrier_id(%barrier3A)
      %mul3A_33 = arith.constant 64 : i32
      %mul3A_34 = arith.muli %arg1, %mul3A_33 : i32
      %run_scoped3A_35 = arith.constant 0 : i32
      "tpu.region"() ({
        %run_scoped3A_62 = tpu.sem_alloc : memref<!tpu.dma_semaphore, #tpu.memory_space<semaphore_mem>>
        %dma_start3A_63 = tpu.memref_slice %arg4[%add3A, %run_scoped3A_35, %mul3A_34] : memref<16x1x2048xi32, #tpu.memory_space<hbm>> -> memref<1x1x64xi32, #tpu.memory_space<hbm>>
        %dma_start3A_64 = tpu.memref_squeeze %dma_start3A_63 : memref<1x1x64xi32, #tpu.memory_space<hbm>> -> memref<64xi32, #tpu.memory_space<hbm>>
        %dma_start3A_65 = tpu.memref_slice %arg4[%add3A, %run_scoped3A_35, %mul3A_34] : memref<16x1x2048xi32, #tpu.memory_space<hbm>> -> memref<1x1x64xi32, #tpu.memory_space<hbm>>
        %dma_start3A_66 = tpu.memref_squeeze %dma_start3A_65 : memref<1x1x64xi32, #tpu.memory_space<hbm>> -> memref<64xi32, #tpu.memory_space<hbm>>
        tpu.enqueue_dma source(%dma_start3A_66 : memref<64xi32, #tpu.memory_space<hbm>>) target(%arg7 : memref<64xi32, #tpu.memory_space<vmem>>) target_semaphore(%run_scoped3A_62 : memref<!tpu.dma_semaphore, #tpu.memory_space<semaphore_mem>>)
        %dma_wait3A_67 = tpu.memref_slice %arg4[%add3A, %run_scoped3A_35, %mul3A_34] : memref<16x1x2048xi32, #tpu.memory_space<hbm>> -> memref<1x1x64xi32, #tpu.memory_space<hbm>>
        %dma_wait3A_68 = tpu.memref_squeeze %dma_wait3A_67 : memref<1x1x64xi32, #tpu.memory_space<hbm>> -> memref<64xi32, #tpu.memory_space<hbm>>
        %dma_wait3A_69 = tpu.memref_slice %arg4[%add3A, %run_scoped3A_35, %mul3A_34] : memref<16x1x2048xi32, #tpu.memory_space<hbm>> -> memref<1x1x64xi32, #tpu.memory_space<hbm>>
        %dma_wait3A_70 = tpu.memref_squeeze %dma_wait3A_69 : memref<1x1x64xi32, #tpu.memory_space<hbm>> -> memref<64xi32, #tpu.memory_space<hbm>>
        tpu.wait_dma2 semaphore(%run_scoped3A_62 : memref<!tpu.dma_semaphore, #tpu.memory_space<semaphore_mem>>) src(%dma_wait3A_70 : memref<64xi32, #tpu.memory_space<hbm>>) dst(%arg7 : memref<64xi32, #tpu.memory_space<vmem>>)
        tpu.yield
      }) : () -> ()
      %mul3A_36 = arith.constant 64 : i32
      %mul3A_37 = arith.muli %arg1, %mul3A_36 : i32
      %run_scoped3A_38 = arith.constant 0 : i32
      "tpu.region"() ({
        %run_scoped3A_62 = tpu.sem_alloc : memref<!tpu.dma_semaphore, #tpu.memory_space<semaphore_mem>>
        %dma_start3A_63 = tpu.memref_slice %arg5[%add3A, %run_scoped3A_38, %mul3A_37] : memref<16x1x2048xi32, #tpu.memory_space<hbm>> -> memref<1x1x64xi32, #tpu.memory_space<hbm>>
        %dma_start3A_64 = tpu.memref_squeeze %dma_start3A_63 : memref<1x1x64xi32, #tpu.memory_space<hbm>> -> memref<64xi32, #tpu.memory_space<hbm>>
        %dma_start3A_65 = tpu.memref_slice %arg5[%add3A, %run_scoped3A_38, %mul3A_37] : memref<16x1x2048xi32, #tpu.memory_space<hbm>> -> memref<1x1x64xi32, #tpu.memory_space<hbm>>
        %dma_start3A_66 = tpu.memref_squeeze %dma_start3A_65 : memref<1x1x64xi32, #tpu.memory_space<hbm>> -> memref<64xi32, #tpu.memory_space<hbm>>
        tpu.enqueue_dma source(%dma_start3A_66 : memref<64xi32, #tpu.memory_space<hbm>>) target(%arg8 : memref<64xi32, #tpu.memory_space<vmem>>) target_semaphore(%run_scoped3A_62 : memref<!tpu.dma_semaphore, #tpu.memory_space<semaphore_mem>>)
        %dma_wait3A_67 = tpu.memref_slice %arg5[%add3A, %run_scoped3A_38, %mul3A_37] : memref<16x1x2048xi32, #tpu.memory_space<hbm>> -> memref<1x1x64xi32, #tpu.memory_space<hbm>>
        %dma_wait3A_68 = tpu.memref_squeeze %dma_wait3A_67 : memref<1x1x64xi32, #tpu.memory_space<hbm>> -> memref<64xi32, #tpu.memory_space<hbm>>
        %dma_wait3A_69 = tpu.memref_slice %arg5[%add3A, %run_scoped3A_38, %mul3A_37] : memref<16x1x2048xi32, #tpu.memory_space<hbm>> -> memref<1x1x64xi32, #tpu.memory_space<hbm>>
        %dma_wait3A_70 = tpu.memref_squeeze %dma_wait3A_69 : memref<1x1x64xi32, #tpu.memory_space<hbm>> -> memref<64xi32, #tpu.memory_space<hbm>>
        tpu.wait_dma2 semaphore(%run_scoped3A_62 : memref<!tpu.dma_semaphore, #tpu.memory_space<semaphore_mem>>) src(%dma_wait3A_70 : memref<64xi32, #tpu.memory_space<hbm>>) dst(%arg8 : memref<64xi32, #tpu.memory_space<vmem>>)
        tpu.yield
      }) : () -> ()
      %dma_start3A_39 = arith.constant 0 : i32
      %dma_start3A_40 = arith.constant 0 : i32
      %dma_start3A_41 = tpu.memref_slice %arg2[%dma_start3A_39, %dma_start3A_40] : memref<32768x128xf32, #tpu.memory_space<hbm>> -> memref<32768x128xf32, #tpu.memory_space<hbm>>
      tpu.enqueue_indirect_dma source(%dma_start3A_41 : memref<32768x128xf32, #tpu.memory_space<hbm>>) target(%arg9 : memref<64x128xf32, #tpu.memory_space<vmem>>) offsets(%arg7 : memref<64xi32, #tpu.memory_space<vmem>>) semaphore(%arg15 : memref<!tpu.dma_semaphore, #tpu.memory_space<semaphore_mem>>)
      %dma_wait3A_42 = arith.constant 0 : i32
      %dma_wait3A_43 = arith.constant 0 : i32
      %dma_wait3A_44 = tpu.memref_slice %arg2[%dma_wait3A_42, %dma_wait3A_43] : memref<32768x128xf32, #tpu.memory_space<hbm>> -> memref<32768x128xf32, #tpu.memory_space<hbm>>
      tpu.wait_indirect_dma semaphore(%arg15 : memref<!tpu.dma_semaphore, #tpu.memory_space<semaphore_mem>>) src(%dma_wait3A_44 : memref<32768x128xf32, #tpu.memory_space<hbm>>) dst(%arg9 : memref<64x128xf32, #tpu.memory_space<vmem>>)
      "tpu.region"() ({
        %run_scoped3A_62 = tpu.sem_alloc : memref<!tpu.dma_semaphore, #tpu.memory_space<semaphore_mem>>
        %dma_start3A_63 = arith.constant 0 : i32
        %dma_start3A_64 = arith.constant 0 : i32
        %dma_start3A_65 = tpu.memref_slice %arg14[%dma_start3A_63, %dma_start3A_64] : memref<2048x128xf32, #tpu.memory_space<vmem_shared>> -> memref<2048x128xf32, #tpu.memory_space<vmem_shared>>
        tpu.enqueue_indirect_dma source(%arg9 : memref<64x128xf32, #tpu.memory_space<vmem>>) target(%dma_start3A_65 : memref<2048x128xf32, #tpu.memory_space<vmem_shared>>) offsets(%arg8 : memref<64xi32, #tpu.memory_space<vmem>>) semaphore(%run_scoped3A_62 : memref<!tpu.dma_semaphore, #tpu.memory_space<semaphore_mem>>) {add = true}
        %dma_wait3A_66 = arith.constant 0 : i32
        %dma_wait3A_67 = arith.constant 0 : i32
        %dma_wait3A_68 = tpu.memref_slice %arg14[%dma_wait3A_66, %dma_wait3A_67] : memref<2048x128xf32, #tpu.memory_space<vmem_shared>> -> memref<2048x128xf32, #tpu.memory_space<vmem_shared>>
        tpu.wait_indirect_dma semaphore(%run_scoped3A_62 : memref<!tpu.dma_semaphore, #tpu.memory_space<semaphore_mem>>) src(%arg9 : memref<64x128xf32, #tpu.memory_space<vmem>>) dst(%dma_wait3A_68 : memref<2048x128xf32, #tpu.memory_space<vmem_shared>>)
        tpu.yield
      }) : () -> ()
      %barrier3A_45 = arith.constant 0 : index
      tpu.barrier barrier_id(%barrier3A_45)
      %mul3A_46 = arith.constant 128 : i32
      %mul3A_47 = arith.muli %arg1, %mul3A_46 : i32
      "tpu.region"() ({
        %run_scoped3A_62 = tpu.sem_alloc : memref<!tpu.dma_semaphore, #tpu.memory_space<semaphore_mem>>
        %dma_start3A_63 = arith.constant 0 : i32
        %dma_start3A_64 = tpu.memref_slice %arg14[%mul3A_47, %dma_start3A_63] : memref<2048x128xf32, #tpu.memory_space<vmem_shared>> -> memref<128x128xf32, #tpu.memory_space<vmem_shared>>
        %dma_start3A_65 = arith.constant 0 : i32
        %dma_start3A_66 = tpu.memref_slice %arg14[%mul3A_47, %dma_start3A_65] : memref<2048x128xf32, #tpu.memory_space<vmem_shared>> -> memref<128x128xf32, #tpu.memory_space<vmem_shared>>
        tpu.enqueue_dma source(%dma_start3A_66 : memref<128x128xf32, #tpu.memory_space<vmem_shared>>) target(%arg12 : memref<128x128xf32, #tpu.memory_space<vmem>>) target_semaphore(%run_scoped3A_62 : memref<!tpu.dma_semaphore, #tpu.memory_space<semaphore_mem>>)
        %dma_wait3A_67 = arith.constant 0 : i32
        %dma_wait3A_68 = tpu.memref_slice %arg14[%mul3A_47, %dma_wait3A_67] : memref<2048x128xf32, #tpu.memory_space<vmem_shared>> -> memref<128x128xf32, #tpu.memory_space<vmem_shared>>
        %dma_wait3A_69 = arith.constant 0 : i32
        %dma_wait3A_70 = tpu.memref_slice %arg14[%mul3A_47, %dma_wait3A_69] : memref<2048x128xf32, #tpu.memory_space<vmem_shared>> -> memref<128x128xf32, #tpu.memory_space<vmem_shared>>
        tpu.wait_dma2 semaphore(%run_scoped3A_62 : memref<!tpu.dma_semaphore, #tpu.memory_space<semaphore_mem>>) src(%dma_wait3A_70 : memref<128x128xf32, #tpu.memory_space<vmem_shared>>) dst(%arg12 : memref<128x128xf32, #tpu.memory_space<vmem>>)
        tpu.yield
      }) : () -> ()
      %scan3A_48 = arith.constant 0 : i32
      %scan3A_49 = arith.constant 0 : i32
      %scan3A_50 = arith.constant 128 : i32
      %scan3A_51 = arith.addi %scan3A_49, %scan3A_50 : i32
      %scan3A_52 = arith.constant 1 : i32
      scf.for %scan3A_62 = %scan3A_49 to %scan3A_51 step %scan3A_52  : i32 {
        %get3A = arith.index_cast %scan3A_62 : i32 to index
        %get3A_63 = arith.constant 64 : index
        %get3A_64 = tpu.vector_load %arg12[%get3A, %get3A_63] {strides = array<i32>} : memref<128x128xf32, #tpu.memory_space<vmem>>, vector<1x16xf32>,
        %get3A_65 = vector.shape_cast %get3A_64 : vector<1x16xf32> to vector<16xf32>
        %div3A = arith.constant 1.000000e+00 : f32
        %div3A_66 = vector.broadcast %div3A : f32 to vector<16xf32>
        %div3A_67 = arith.divf %div3A_66, %get3A_65 : vector<16xf32>
        %slice3A = vector.extract_strided_slice %div3A_67 {offsets = [0], sizes = [1], strides = [1]} : vector<16xf32> to vector<1xf32>
        %squeeze3A = vector.extract %slice3A[0] : f32 from vector<1xf32>
        %get3A_68 = arith.index_cast %scan3A_62 : i32 to index
        %get3A_69 = arith.constant 0 : index
        %get3A_70 = tpu.vector_load %arg12[%get3A_68, %get3A_69] {strides = array<i32>} : memref<128x128xf32, #tpu.memory_space<vmem>>, vector<1x16xf32>,
        %get3A_71 = vector.shape_cast %get3A_70 : vector<1x16xf32> to vector<16xf32>
        %mul3A_72 = vector.broadcast %squeeze3A : f32 to vector<16xf32>
        %mul3A_73 = arith.mulf %get3A_71, %mul3A_72 : vector<16xf32>
        %swap3A = arith.index_cast %scan3A_62 : i32 to index
        %swap3A_74 = arith.constant 0 : index
        %swap3A_75 = tpu.vector_load %arg13[%swap3A, %swap3A_74] {strides = array<i32>} : memref<128x64xf32, #tpu.memory_space<vmem>>, vector<1x16xf32>,
        %swap3A_76 = vector.shape_cast %swap3A_75 : vector<1x16xf32> to vector<16xf32>
        %swap3A_77 = vector.shape_cast %mul3A_73 : vector<16xf32> to vector<1x16xf32>
        tpu.vector_store %arg13[%swap3A, %swap3A_74], %swap3A_77 {strides = array<i32>} : memref<128x64xf32, #tpu.memory_space<vmem>>, vector<1x16xf32>,
        %get3A_78 = arith.index_cast %scan3A_62 : i32 to index
        %get3A_79 = arith.constant 16 : index
        %get3A_80 = tpu.vector_load %arg12[%get3A_78, %get3A_79] {strides = array<i32>} : memref<128x128xf32, #tpu.memory_space<vmem>>, vector<1x16xf32>,
        %get3A_81 = vector.shape_cast %get3A_80 : vector<1x16xf32> to vector<16xf32>
        %mul3A_82 = vector.broadcast %squeeze3A : f32 to vector<16xf32>
        %mul3A_83 = arith.mulf %get3A_81, %mul3A_82 : vector<16xf32>
        %swap3A_84 = arith.index_cast %scan3A_62 : i32 to index
        %swap3A_85 = arith.constant 16 : index
        %swap3A_86 = tpu.vector_load %arg13[%swap3A_84, %swap3A_85] {strides = array<i32>} : memref<128x64xf32, #tpu.memory_space<vmem>>, vector<1x16xf32>,
        %swap3A_87 = vector.shape_cast %swap3A_86 : vector<1x16xf32> to vector<16xf32>
        %swap3A_88 = vector.shape_cast %mul3A_83 : vector<16xf32> to vector<1x16xf32>
        tpu.vector_store %arg13[%swap3A_84, %swap3A_85], %swap3A_88 {strides = array<i32>} : memref<128x64xf32, #tpu.memory_space<vmem>>, vector<1x16xf32>,
        %get3A_89 = arith.index_cast %scan3A_62 : i32 to index
        %get3A_90 = arith.constant 32 : index
        %get3A_91 = tpu.vector_load %arg12[%get3A_89, %get3A_90] {strides = array<i32>} : memref<128x128xf32, #tpu.memory_space<vmem>>, vector<1x16xf32>,
        %get3A_92 = vector.shape_cast %get3A_91 : vector<1x16xf32> to vector<16xf32>
        %mul3A_93 = vector.broadcast %squeeze3A : f32 to vector<16xf32>
        %mul3A_94 = arith.mulf %get3A_92, %mul3A_93 : vector<16xf32>
        %swap3A_95 = arith.index_cast %scan3A_62 : i32 to index
        %swap3A_96 = arith.constant 32 : index
        %swap3A_97 = tpu.vector_load %arg13[%swap3A_95, %swap3A_96] {strides = array<i32>} : memref<128x64xf32, #tpu.memory_space<vmem>>, vector<1x16xf32>,
        %swap3A_98 = vector.shape_cast %swap3A_97 : vector<1x16xf32> to vector<16xf32>
        %swap3A_99 = vector.shape_cast %mul3A_94 : vector<16xf32> to vector<1x16xf32>
        tpu.vector_store %arg13[%swap3A_95, %swap3A_96], %swap3A_99 {strides = array<i32>} : memref<128x64xf32, #tpu.memory_space<vmem>>, vector<1x16xf32>,
        %get3A_100 = arith.index_cast %scan3A_62 : i32 to index
        %get3A_101 = arith.constant 48 : index
        %get3A_102 = tpu.vector_load %arg12[%get3A_100, %get3A_101] {strides = array<i32>} : memref<128x128xf32, #tpu.memory_space<vmem>>, vector<1x16xf32>,
        %get3A_103 = vector.shape_cast %get3A_102 : vector<1x16xf32> to vector<16xf32>
        %mul3A_104 = vector.broadcast %squeeze3A : f32 to vector<16xf32>
        %mul3A_105 = arith.mulf %get3A_103, %mul3A_104 : vector<16xf32>
        %swap3A_106 = arith.index_cast %scan3A_62 : i32 to index
        %swap3A_107 = arith.constant 48 : index
        %swap3A_108 = tpu.vector_load %arg13[%swap3A_106, %swap3A_107] {strides = array<i32>} : memref<128x64xf32, #tpu.memory_space<vmem>>, vector<1x16xf32>,
        %swap3A_109 = vector.shape_cast %swap3A_108 : vector<1x16xf32> to vector<16xf32>
        %swap3A_110 = vector.shape_cast %mul3A_105 : vector<16xf32> to vector<1x16xf32>
        tpu.vector_store %arg13[%swap3A_106, %swap3A_107], %swap3A_110 {strides = array<i32>} : memref<128x64xf32, #tpu.memory_space<vmem>>, vector<1x16xf32>,
      }
      %scan3A_53 = arith.constant 128 : i32
      %mul3A_54 = arith.constant 3072 : i32
      %mul3A_55 = arith.muli %add3A, %mul3A_54 : i32
      %add3A_56 = arith.constant 1024 : i32
      %add3A_57 = arith.addi %mul3A_55, %add3A_56 : i32
      %mul3A_58 = arith.constant 128 : i32
      %mul3A_59 = arith.muli %arg1, %mul3A_58 : i32
      %add3A_60 = arith.addi %add3A_57, %mul3A_59 : i32
      "tpu.region"() ({
        %run_scoped3A_62 = tpu.sem_alloc : memref<!tpu.dma_semaphore, #tpu.memory_space<semaphore_mem>>
        %dma_start3A_63 = arith.constant 0 : i32
        %dma_start3A_64 = tpu.memref_slice %arg6[%add3A_60, %dma_start3A_63] : memref<49152x64xf32, #tpu.memory_space<hbm>> -> memref<128x64xf32, #tpu.memory_space<hbm>>
        %dma_start3A_65 = arith.constant 0 : i32
        %dma_start3A_66 = tpu.memref_slice %arg6[%add3A_60, %dma_start3A_65] : memref<49152x64xf32, #tpu.memory_space<hbm>> -> memref<128x64xf32, #tpu.memory_space<hbm>>
        tpu.enqueue_dma source(%arg13 : memref<128x64xf32, #tpu.memory_space<vmem>>) target(%dma_start3A_66 : memref<128x64xf32, #tpu.memory_space<hbm>>) target_semaphore(%run_scoped3A_62 : memref<!tpu.dma_semaphore, #tpu.memory_space<semaphore_mem>>)
        %dma_wait3A_67 = arith.constant 0 : i32
        %dma_wait3A_68 = tpu.memref_slice %arg6[%add3A_60, %dma_wait3A_67] : memref<49152x64xf32, #tpu.memory_space<hbm>> -> memref<128x64xf32, #tpu.memory_space<hbm>>
        %dma_wait3A_69 = arith.constant 0 : i32
        %dma_wait3A_70 = tpu.memref_slice %arg6[%add3A_60, %dma_wait3A_69] : memref<49152x64xf32, #tpu.memory_space<hbm>> -> memref<128x64xf32, #tpu.memory_space<hbm>>
        tpu.wait_dma2 semaphore(%run_scoped3A_62 : memref<!tpu.dma_semaphore, #tpu.memory_space<semaphore_mem>>) src(%arg13 : memref<128x64xf32, #tpu.memory_space<vmem>>) dst(%dma_wait3A_70 : memref<128x64xf32, #tpu.memory_space<hbm>>)
        tpu.yield
      }) : () -> ()
      %barrier3A_61 = arith.constant 0 : index
      tpu.barrier barrier_id(%barrier3A_61)
    }
    %scan3A_4 = arith.constant 8 : i32
    return
  }
}

module attributes {stable_mosaic.version = 14 : i64} {
  func.func @_scores_kernel(%arg0: i32, %arg1: i32, %arg2: memref<1x512x64xf32, #tpu.memory_space<vmem>>, %arg3: memref<1x2048x64xf32, #tpu.memory_space<vmem>>, %arg4: memref<1x1x512xf32, #tpu.memory_space<vmem>>, %arg5: memref<1x1x512xi32, #tpu.memory_space<vmem>>) attributes {dimension_semantics = [#tpu.dimension_semantics<arbitrary>, #tpu.dimension_semantics<arbitrary>], iteration_bounds = array<i64: 16, 4>, scalar_prefetch = 0 : i64, scratch_operands = 0 : i64, tpu.core_type = #tpu.core_type<tc>, window_params = [{transform_indices = @transform_0, window_bounds = array<i64: 1, 512, 64>}, {transform_indices = @transform_1, window_bounds = array<i64: 1, 2048, 64>}, {transform_indices = @transform_2, window_bounds = array<i64: 1, 1, 512>}, {transform_indices = @transform_3, window_bounds = array<i64: 1, 1, 512>}]} {
    %get3A = arith.constant 0 : index
    %get3A_0 = arith.constant 0 : index
    %get3A_1 = arith.constant 0 : index
    %get3A_2 = vector.load %arg2[%get3A, %get3A_0, %get3A_1] : memref<1x512x64xf32, #tpu.memory_space<vmem>>, vector<1x512x64xf32>
    %get3A_3 = vector.shape_cast %get3A_2 : vector<1x512x64xf32> to vector<512x64xf32>
    %get3A_4 = arith.constant 0 : index
    %get3A_5 = arith.constant 0 : index
    %get3A_6 = arith.constant 0 : index
    %get3A_7 = vector.load %arg3[%get3A_4, %get3A_5, %get3A_6] : memref<1x2048x64xf32, #tpu.memory_space<vmem>>, vector<1x2048x64xf32>
    %get3A_8 = vector.shape_cast %get3A_7 : vector<1x2048x64xf32> to vector<2048x64xf32>
    %dot_general3A = arith.constant dense<0.000000e+00> : vector<512x2048xf32>
    %dot_general3A_9 = tpu.matmul %get3A_3, %get3A_8, %dot_general3A {dimension_numbers = #tpu.dot_dimension_numbers<[1], [1], [0], [0], [0, 0, 1, 0], [], []>, transpose_lhs_hint = false} : vector<512x64xf32>, vector<2048x64xf32>, vector<512x2048xf32> -> vector<512x2048xf32>
    %reduce_max3A = arith.constant dense<0xFF800000> : vector<512xf32>
    %reduce_max3A_10 = vector.multi_reduction <maximumf>, %dot_general3A_9, %reduce_max3A [1] : vector<512x2048xf32> to vector<512xf32>
    %iota3A = tpu.iota {dimensions = array<i32: 1>} : vector<512x2048xi32>
    %broadcast_in_dim3A = vector.shape_cast %reduce_max3A_10 : vector<512xf32> to vector<512x1xf32>
    %eq3A = vector.broadcast %broadcast_in_dim3A : vector<512x1xf32> to vector<512x2048xf32>
    %eq3A_11 = arith.cmpf oeq, %dot_general3A_9, %eq3A : vector<512x2048xf32>
    %jit3A = arith.constant 2048 : i32
    %broadcast_in_dim3A_12 = vector.broadcast %jit3A : i32 to vector<512x2048xi32>
    %select_n3A = arith.select %eq3A_11, %iota3A, %broadcast_in_dim3A_12 : vector<512x2048xi1>, vector<512x2048xi32>
    %reduce_min3A = arith.constant dense<2147483647> : vector<512xi32>
    %reduce_min3A_13 = vector.multi_reduction <minsi>, %select_n3A, %reduce_min3A [1] : vector<512x2048xi32> to vector<512xi32>
    %swap3A = arith.constant 0 : index
    %swap3A_14 = arith.constant 0 : index
    %swap3A_15 = arith.constant 0 : index
    %swap3A_16 = vector.load %arg4[%swap3A, %swap3A_14, %swap3A_15] : memref<1x1x512xf32, #tpu.memory_space<vmem>>, vector<1x1x512xf32>
    %swap3A_17 = vector.shape_cast %swap3A_16 : vector<1x1x512xf32> to vector<512xf32>
    %swap3A_18 = vector.shape_cast %reduce_max3A_10 : vector<512xf32> to vector<1x1x512xf32>
    tpu.vector_store %arg4[%swap3A, %swap3A_14, %swap3A_15], %swap3A_18 {strides = array<i32>} : memref<1x1x512xf32, #tpu.memory_space<vmem>>, vector<1x1x512xf32>,
    %swap3A_19 = arith.constant 0 : index
    %swap3A_20 = arith.constant 0 : index
    %swap3A_21 = arith.constant 0 : index
    %swap3A_22 = vector.load %arg5[%swap3A_19, %swap3A_20, %swap3A_21] : memref<1x1x512xi32, #tpu.memory_space<vmem>>, vector<1x1x512xi32>
    %swap3A_23 = vector.shape_cast %swap3A_22 : vector<1x1x512xi32> to vector<512xi32>
    %swap3A_24 = vector.shape_cast %reduce_min3A_13 : vector<512xi32> to vector<1x1x512xi32>
    tpu.vector_store %arg5[%swap3A_19, %swap3A_20, %swap3A_21], %swap3A_24 {strides = array<i32>} : memref<1x1x512xi32, #tpu.memory_space<vmem>>, vector<1x1x512xi32>,
    return
  }
  func.func @transform_0(%arg0: i32, %arg1: i32) -> (i32, i32, i32) {
    %c0_i32 = arith.constant 0 : i32
    %c0_i32_0 = arith.constant 0 : i32
    return %arg0, %arg1, %c0_i32 : i32, i32, i32
  }
  func.func @transform_1(%arg0: i32, %arg1: i32) -> (i32, i32, i32) {
    %c0_i32 = arith.constant 0 : i32
    %c0_i32_0 = arith.constant 0 : i32
    %c0_i32_1 = arith.constant 0 : i32
    return %arg0, %c0_i32, %c0_i32_0 : i32, i32, i32
  }
  func.func @transform_2(%arg0: i32, %arg1: i32) -> (i32, i32, i32) {
    %c0_i32 = arith.constant 0 : i32
    %c0_i32_0 = arith.constant 0 : i32
    return %arg0, %c0_i32, %arg1 : i32, i32, i32
  }
  func.func @transform_3(%arg0: i32, %arg1: i32) -> (i32, i32, i32) {
    %c0_i32 = arith.constant 0 : i32
    %c0_i32_0 = arith.constant 0 : i32
    return %arg0, %c0_i32, %arg1 : i32, i32, i32
  }
}

module attributes {stable_mosaic.version = 14 : i64} {
  func.func @_rank_kernel(%arg0: i32, %arg1: i32, %arg2: memref<1x1x2048xf32, #tpu.memory_space<vmem>>, %arg3: memref<1x1x512xf32, #tpu.memory_space<vmem>>, %arg4: memref<1x1x512xi32, #tpu.memory_space<vmem>>) attributes {dimension_semantics = [#tpu.dimension_semantics<arbitrary>, #tpu.dimension_semantics<arbitrary>], iteration_bounds = array<i64: 16, 4>, scalar_prefetch = 0 : i64, scratch_operands = 0 : i64, tpu.core_type = #tpu.core_type<tc>, window_params = [{transform_indices = @transform_0, window_bounds = array<i64: 1, 1, 2048>}, {transform_indices = @transform_1, window_bounds = array<i64: 1, 1, 512>}, {transform_indices = @transform_2, window_bounds = array<i64: 1, 1, 512>}]} {
    %get3A = arith.constant 0 : index
    %get3A_0 = arith.constant 0 : index
    %get3A_1 = arith.constant 0 : index
    %get3A_2 = vector.load %arg2[%get3A, %get3A_0, %get3A_1] : memref<1x1x2048xf32, #tpu.memory_space<vmem>>, vector<1x1x2048xf32>
    %get3A_3 = vector.shape_cast %get3A_2 : vector<1x1x2048xf32> to vector<2048xf32>
    %get3A_4 = arith.constant 0 : index
    %get3A_5 = arith.constant 0 : index
    %get3A_6 = arith.constant 0 : index
    %get3A_7 = vector.load %arg3[%get3A_4, %get3A_5, %get3A_6] : memref<1x1x512xf32, #tpu.memory_space<vmem>>, vector<1x1x512xf32>
    %get3A_8 = vector.shape_cast %get3A_7 : vector<1x1x512xf32> to vector<512xf32>
    %mul3A = arith.constant 512 : i32
    %mul3A_9 = arith.muli %arg1, %mul3A : i32
    %iota3A = tpu.iota {dimensions = array<i32: 1>} : vector<512x2048xi32>
    %iota3A_10 = tpu.iota {dimensions = array<i32: 0>} : vector<512x2048xi32>
    %add3A = vector.broadcast %mul3A_9 : i32 to vector<512x2048xi32>
    %add3A_11 = arith.addi %iota3A_10, %add3A : vector<512x2048xi32>
    %broadcast_in_dim3A = vector.shape_cast %get3A_8 : vector<512xf32> to vector<512x1xf32>
    %broadcast_in_dim3A_12 = vector.shape_cast %get3A_3 : vector<2048xf32> to vector<1x2048xf32>
    %gt3A = vector.broadcast %broadcast_in_dim3A_12 : vector<1x2048xf32> to vector<512x2048xf32>
    %gt3A_13 = vector.broadcast %broadcast_in_dim3A : vector<512x1xf32> to vector<512x2048xf32>
    %gt3A_14 = arith.cmpf ogt, %gt3A, %gt3A_13 : vector<512x2048xf32>
    %eq3A = vector.broadcast %broadcast_in_dim3A_12 : vector<1x2048xf32> to vector<512x2048xf32>
    %eq3A_15 = vector.broadcast %broadcast_in_dim3A : vector<512x1xf32> to vector<512x2048xf32>
    %eq3A_16 = arith.cmpf oeq, %eq3A, %eq3A_15 : vector<512x2048xf32>
    %lt3A = arith.cmpi slt, %iota3A, %add3A_11 : vector<512x2048xi32>
    %and3A = arith.andi %eq3A_16, %lt3A : vector<512x2048xi1>
    %or3A = arith.ori %gt3A_14, %and3A : vector<512x2048xi1>
    %convert_element_type3A = arith.extui %or3A : vector<512x2048xi1> to vector<512x2048xi32>
    %reduce_sum3A = arith.constant dense<0> : vector<512xi32>
    %reduce_sum3A_17 = vector.multi_reduction <add>, %convert_element_type3A, %reduce_sum3A [1] : vector<512x2048xi32> to vector<512xi32>
    %swap3A = arith.constant 0 : index
    %swap3A_18 = arith.constant 0 : index
    %swap3A_19 = arith.constant 0 : index
    %swap3A_20 = vector.load %arg4[%swap3A, %swap3A_18, %swap3A_19] : memref<1x1x512xi32, #tpu.memory_space<vmem>>, vector<1x1x512xi32>
    %swap3A_21 = vector.shape_cast %swap3A_20 : vector<1x1x512xi32> to vector<512xi32>
    %swap3A_22 = vector.shape_cast %reduce_sum3A_17 : vector<512xi32> to vector<1x1x512xi32>
    tpu.vector_store %arg4[%swap3A, %swap3A_18, %swap3A_19], %swap3A_22 {strides = array<i32>} : memref<1x1x512xi32, #tpu.memory_space<vmem>>, vector<1x1x512xi32>,
    return
  }
  func.func @transform_0(%arg0: i32, %arg1: i32) -> (i32, i32, i32) {
    %c0_i32 = arith.constant 0 : i32
    %c0_i32_0 = arith.constant 0 : i32
    %c0_i32_1 = arith.constant 0 : i32
    return %arg0, %c0_i32, %c0_i32_0 : i32, i32, i32
  }
  func.func @transform_1(%arg0: i32, %arg1: i32) -> (i32, i32, i32) {
    %c0_i32 = arith.constant 0 : i32
    %c0_i32_0 = arith.constant 0 : i32
    return %arg0, %c0_i32, %arg1 : i32, i32, i32
  }
  func.func @transform_2(%arg0: i32, %arg1: i32) -> (i32, i32, i32) {
    %c0_i32 = arith.constant 0 : i32
    %c0_i32_0 = arith.constant 0 : i32
    return %arg0, %c0_i32, %arg1 : i32, i32, i32
  }
}

module attributes {stable_mosaic.version = 14 : i64} {
  func.func @_plan_kernel(%arg0: i32, %arg1: i32, %arg2: memref<1x1x2048xi32, #tpu.memory_space<vmem>>, %arg3: memref<1x1x2048xi32, #tpu.memory_space<vmem>>, %arg4: memref<1x1x512xi32, #tpu.memory_space<vmem>>, %arg5: memref<1x1x512xi32, #tpu.memory_space<vmem>>) attributes {dimension_semantics = [#tpu.dimension_semantics<arbitrary>, #tpu.dimension_semantics<arbitrary>], iteration_bounds = array<i64: 16, 4>, scalar_prefetch = 0 : i64, scratch_operands = 0 : i64, tpu.core_type = #tpu.core_type<tc>, window_params = [{transform_indices = @transform_0, window_bounds = array<i64: 1, 1, 2048>}, {transform_indices = @transform_1, window_bounds = array<i64: 1, 1, 2048>}, {transform_indices = @transform_2, window_bounds = array<i64: 1, 1, 512>}, {transform_indices = @transform_3, window_bounds = array<i64: 1, 1, 512>}]} {
    %get3A = arith.constant 0 : index
    %get3A_0 = arith.constant 0 : index
    %get3A_1 = arith.constant 0 : index
    %get3A_2 = vector.load %arg2[%get3A, %get3A_0, %get3A_1] : memref<1x1x2048xi32, #tpu.memory_space<vmem>>, vector<1x1x2048xi32>
    %get3A_3 = vector.shape_cast %get3A_2 : vector<1x1x2048xi32> to vector<2048xi32>
    %get3A_4 = arith.constant 0 : index
    %get3A_5 = arith.constant 0 : index
    %get3A_6 = arith.constant 0 : index
    %get3A_7 = vector.load %arg3[%get3A_4, %get3A_5, %get3A_6] : memref<1x1x2048xi32, #tpu.memory_space<vmem>>, vector<1x1x2048xi32>
    %get3A_8 = vector.shape_cast %get3A_7 : vector<1x1x2048xi32> to vector<2048xi32>
    %mul3A = arith.constant 512 : i32
    %mul3A_9 = arith.muli %arg1, %mul3A : i32
    %iota3A = tpu.iota {dimensions = array<i32: 0>} : vector<512x2048xi32>
    %add3A = vector.broadcast %mul3A_9 : i32 to vector<512x2048xi32>
    %add3A_10 = arith.addi %iota3A, %add3A : vector<512x2048xi32>
    %iota3A_11 = tpu.iota {dimensions = array<i32: 1>} : vector<512x2048xi32>
    %broadcast_in_dim3A = vector.shape_cast %get3A_3 : vector<2048xi32> to vector<1x2048xi32>
    %eq3A = vector.broadcast %broadcast_in_dim3A : vector<1x2048xi32> to vector<512x2048xi32>
    %eq3A_12 = arith.cmpi eq, %eq3A, %add3A_10 : vector<512x2048xi32>
    %convert_element_type3A = arith.extui %eq3A_12 : vector<512x2048xi1> to vector<512x2048xi32>
    %convert_element_type3A_13 = arith.sitofp %convert_element_type3A : vector<512x2048xi32> to vector<512x2048xf32>
    %convert_element_type3A_14 = arith.sitofp %iota3A_11 : vector<512x2048xi32> to vector<512x2048xf32>
    %mul3A_15 = arith.mulf %convert_element_type3A_13, %convert_element_type3A_14 : vector<512x2048xf32>
    %reduce_sum3A = arith.constant dense<0.000000e+00> : vector<512xf32>
    %reduce_sum3A_16 = vector.multi_reduction <add>, %mul3A_15, %reduce_sum3A [1] : vector<512x2048xf32> to vector<512xf32>
    %convert_element_type3A_17 = arith.fptosi %reduce_sum3A_16 : vector<512xf32> to vector<512xi32>
    %convert_element_type3A_18 = arith.sitofp %get3A_8 : vector<2048xi32> to vector<2048xf32>
    %broadcast_in_dim3A_19 = vector.shape_cast %convert_element_type3A_18 : vector<2048xf32> to vector<1x2048xf32>
    %mul3A_20 = vector.broadcast %broadcast_in_dim3A_19 : vector<1x2048xf32> to vector<512x2048xf32>
    %mul3A_21 = arith.mulf %convert_element_type3A_13, %mul3A_20 : vector<512x2048xf32>
    %reduce_sum3A_22 = arith.constant dense<0.000000e+00> : vector<512xf32>
    %reduce_sum3A_23 = vector.multi_reduction <add>, %mul3A_21, %reduce_sum3A_22 [1] : vector<512x2048xf32> to vector<512xf32>
    %convert_element_type3A_24 = arith.fptosi %reduce_sum3A_23 : vector<512xf32> to vector<512xi32>
    %mul3A_25 = arith.constant 2048 : i32
    %mul3A_26 = arith.muli %arg0, %mul3A_25 : i32
    %add3A_27 = vector.broadcast %mul3A_26 : i32 to vector<512xi32>
    %add3A_28 = arith.addi %convert_element_type3A_17, %add3A_27 : vector<512xi32>
    %swap3A = arith.constant 0 : index
    %swap3A_29 = arith.constant 0 : index
    %swap3A_30 = arith.constant 0 : index
    %swap3A_31 = vector.load %arg4[%swap3A, %swap3A_29, %swap3A_30] : memref<1x1x512xi32, #tpu.memory_space<vmem>>, vector<1x1x512xi32>
    %swap3A_32 = vector.shape_cast %swap3A_31 : vector<1x1x512xi32> to vector<512xi32>
    %swap3A_33 = vector.shape_cast %add3A_28 : vector<512xi32> to vector<1x1x512xi32>
    tpu.vector_store %arg4[%swap3A, %swap3A_29, %swap3A_30], %swap3A_33 {strides = array<i32>} : memref<1x1x512xi32, #tpu.memory_space<vmem>>, vector<1x1x512xi32>,
    %swap3A_34 = arith.constant 0 : index
    %swap3A_35 = arith.constant 0 : index
    %swap3A_36 = arith.constant 0 : index
    %swap3A_37 = vector.load %arg5[%swap3A_34, %swap3A_35, %swap3A_36] : memref<1x1x512xi32, #tpu.memory_space<vmem>>, vector<1x1x512xi32>
    %swap3A_38 = vector.shape_cast %swap3A_37 : vector<1x1x512xi32> to vector<512xi32>
    %swap3A_39 = vector.shape_cast %convert_element_type3A_24 : vector<512xi32> to vector<1x1x512xi32>
    tpu.vector_store %arg5[%swap3A_34, %swap3A_35, %swap3A_36], %swap3A_39 {strides = array<i32>} : memref<1x1x512xi32, #tpu.memory_space<vmem>>, vector<1x1x512xi32>,
    return
  }
  func.func @transform_0(%arg0: i32, %arg1: i32) -> (i32, i32, i32) {
    %c0_i32 = arith.constant 0 : i32
    %c0_i32_0 = arith.constant 0 : i32
    %c0_i32_1 = arith.constant 0 : i32
    return %arg0, %c0_i32, %c0_i32_0 : i32, i32, i32
  }
  func.func @transform_1(%arg0: i32, %arg1: i32) -> (i32, i32, i32) {
    %c0_i32 = arith.constant 0 : i32
    %c0_i32_0 = arith.constant 0 : i32
    %c0_i32_1 = arith.constant 0 : i32
    return %arg0, %c0_i32, %c0_i32_0 : i32, i32, i32
  }
  func.func @transform_2(%arg0: i32, %arg1: i32) -> (i32, i32, i32) {
    %c0_i32 = arith.constant 0 : i32
    %c0_i32_0 = arith.constant 0 : i32
    return %arg0, %c0_i32, %arg1 : i32, i32, i32
  }
  func.func @transform_3(%arg0: i32, %arg1: i32) -> (i32, i32, i32) {
    %c0_i32 = arith.constant 0 : i32
    %c0_i32_0 = arith.constant 0 : i32
    return %arg0, %c0_i32, %arg1 : i32, i32, i32
  }
}

</mosaic_0001>

<sc_bundles>
// kernel: kernel.6.cloned.1.call-start
scs
__scs_entry_jumppad:
0x0: {  	(pc) =	sbr.rel $0x88, $3  }
0x1: {  	(tag) =	ssettag $0x0;
	lr =	simm.s32 $0x1  }
0x2: {  	[smem:$0x3FA0] =	sst lr;
	_ =	strace $0xD0000000  }
0x3: {  	_ = 	snop  }
0x4: {  	_ = 	snop  }
0x5: {  	_ = 	snop  }
0x6: {  	_ = 	snop  }
0x7: {  	_ = 	snop  }
__scs_overlays_trampoline_lowered:
0x8: {  	[smem:$0x3FAF] =	sst s0  }
0x9: {  	[smem:$0x3FB0] =	sst s1  }
0xa: {  	[smem:$0x3FB1] =	sst s2  }
0xb: {  	[smem:$0x3FB2] =	sst s3  }
0xc: {  	[smem:$0x3FB3] =	sst s4  }
0xd: {  	[smem:$0x3FB4] =	sst s5  }
0xe: {  	[smem:$0x3FB5] =	sst s6  }
0xf: {  	[smem:$0x3FB6] =	sst s7  }
0x10: {  	[smem:$0x3FB7] =	sst s8  }
0x11: {  	[smem:$0x3FB8] =	sst s9;
	s0 =	simm.s32 @!p0 $0x0  }
0x12: {  	s1 =	sld [smem:$0x3F9E];
	s0 =	simm.s32 @p0 $0x1  }
0x13: {  	[smem:$0x3FB9] =	sst s0;
	s0 =	simm.s32 @!p1 $0x0  }
0x14: {  	s2 =	sld [smem:$0x3F9D];
	s0 =	simm.s32 @p1 $0x1  }
0x15: {  	[smem:$0x3FBA] =	sst s0;
	s0 =	simm.s32 @!p2 $0x0  }
0x16: {  	s3 =	sld [smem:$0x3FDB];
	s0 =	simm.s32 @p2 $0x1  }
0x17: {  	s4 =	simm.s32 $0x1BF5;
	[smem:$0x3FBC] =	sst s0  }
0x18: {  	s0 =	sld [smem:$0x3F9F];
	_ =	swait.ge [sflag:s4], $0x0  }
0x19: {  	s7 =	sld [smem:$0x3FA0]  }
0x1a: {  	s8 =	sadd.s32 $0xFFFFE003, lr  }
0x1b: {  	s9 =	sadd.s32 $0xFFFFFEF7, lr;
	s5 =	simm.s32 $0xFFFFFFFF;
	p2 =	slt.u32 s8, $0xFFFFF086  }
0x1c: {  	p1 =	slt.u32 s9, $0xF7A;
	s5 =	simm.s32 @!p2 $0x0  }
0x1d: {  	s5 =	simm.s32 @p1 $0x1;
	p0 =	seq.s32 s7, s2  }
0x1e: {  	s7 =	smul.u32 @!p0 $0xF7A, s2;
	p2 =	seq.s32 @!p0 s5, $0x0  }
0x1f: {  	s9 =	smul.u32 $0xF7A, s1;
	s8 =	simm.s32 @!p0 $0x1BF5;
	p2 =	por !p2, p0  }
0x20: {  	[sflag:s8] =	ssyncset.s32 @!p0 $0xFFFFF086;
	s6 =	sadd.s32 @!p0 s3, s7;
	s7 =	simm.s32 @!p0 $0x108  }
0x21: {  	s3 =	sadd.s32 s3, s9;
	s6 =	sadd.s32 @!p0 $0x88, s6;
	s7 =	simm.s32 @p2 $0x1082  }
0x22: {  	[simem:s7], [sflag:s8] =	dma.local @!p0 [hbm:s6], $0xF7A  }
0x23: {  	s9 =	sor.u32 $0xD0000000, s2;
	s6 =	simm.s32 $0x108;
	_ =	swait.ge @!p0 [sflag:s8], $0x0  }
0x24: {  	s3 =	sadd.s32 $0x88, s3;
	s6 =	simm.s32 @!p1 $0x1082;
	[sflag:s4] =	ssyncset.s32 $0xFFFFF086  }
0x25: {  	[simem:s6], [sflag:s4] =	dma.local [hbm:s3], $0xF7A  }
0x26: {  	[smem:$0x3FA0] =	sst s1;
	(tag) =	ssettag s2;
	_ =	strace s9  }
0x27: {  	s1 =	sld [smem:$0x3FB0]  }
0x28: {  	s2 =	sld [smem:$0x3FB1]  }
0x29: {  	s4 =	sld [smem:$0x3FB3]  }
0x2a: {  	p0 =	seq.s32 s5, $0x0;
	s5 =	sld [smem:$0x3FB4]  }
0x2b: {  	s6 =	sld [smem:$0x3FB5]  }
0x2c: {  	s7 =	sld [smem:$0x3FB6]  }
0x2d: {  	s3 =	simm.s32 $0x108;
	s8 =	sld [smem:$0x3FB7]  }
0x2e: {  	s3 =	simm.s32 @!p0 $0x1082;
	s9 =	sld [smem:$0x3FB8]  }
0x2f: {  	lr =	sadd.s32 s0, s3;
	s0 =	sld [smem:$0x3FAF]  }
0x30: {  	s3 =	sld [smem:$0x3FB2]  }
0x31: {  	[smem:$0x3FBB] =	sst s10  }
0x32: {  	s10 =	sld [smem:$0x3FB9];
	_ =	sdelay $0x3  }
0x33: {  	p0 =	seq.s32 s10, $0x1;
	s10 =	sld [smem:$0x3FBB];
	_ =	sdelay $0x3  }
0x34: {  	[smem:$0x3FBB] =	sst s10  }
0x35: {  	s10 =	sld [smem:$0x3FBA];
	_ =	sdelay $0x3  }
0x36: {  	p1 =	seq.s32 s10, $0x1;
	s10 =	sld [smem:$0x3FBB];
	_ =	sdelay $0x3  }
0x37: {  	[smem:$0x3FBB] =	sst s10  }
0x38: {  	s10 =	sld [smem:$0x3FBC]  }
0x39: {  	_ = 	snop;
	(pc) =	sbr.ind lr, $3  }
0x3a: {  	_ = 	snop  }
0x3b: {  	_ = 	snop  }
0x3c: {  	p2 =	seq.s32 s10, $0x1;
	s10 =	sld [smem:$0x3FBB]  }
0x3d: {  	_ =	shalt  }
0x3e: {  	_ =	shalt  }
0x3f: {  	_ =	shalt  }
0x40: {  	_ =	shalt  }
0x41: {  	_ =	shalt  }
0x42: {  	_ =	shalt  }
0x43: {  	_ =	shalt  }
0x44: {  	_ =	shalt  }
0x45: {  	_ =	shalt  }
0x46: {  	_ =	shalt  }
0x47: {  	_ =	shalt  }
0x48: {  	_ =	shalt  }
0x49: {  	_ =	shalt  }
0x4a: {  	_ =	shalt  }
0x4b: {  	_ =	shalt  }
0x4c: {  	_ =	shalt  }
0x4d: {  	_ =	shalt  }
0x4e: {  	_ =	shalt  }
0x4f: {  	_ =	shalt  }
0x50: {  	_ =	shalt  }
0x51: {  	_ =	shalt  }
0x52: {  	_ =	shalt  }
0x53: {  	_ =	shalt  }
0x54: {  	_ =	shalt  }
0x55: {  	_ =	shalt  }
0x56: {  	_ =	shalt  }
0x57: {  	_ =	shalt  }
0x58: {  	_ =	shalt  }
0x59: {  	_ =	shalt  }
0x5a: {  	_ =	shalt  }
0x5b: {  	_ =	shalt  }
0x5c: {  	_ =	shalt  }
0x5d: {  	_ =	shalt  }
0x5e: {  	_ =	shalt  }
0x5f: {  	_ =	shalt  }
0x60: {  	_ =	shalt  }
0x61: {  	_ =	shalt  }
0x62: {  	_ =	shalt  }
0x63: {  	_ =	shalt  }
0x64: {  	_ =	shalt  }
0x65: {  	_ =	shalt  }
0x66: {  	_ =	shalt  }
0x67: {  	_ =	shalt  }
0x68: {  	_ =	shalt  }
0x69: {  	_ =	shalt  }
0x6a: {  	_ =	shalt  }
0x6b: {  	_ =	shalt  }
0x6c: {  	_ =	shalt  }
0x6d: {  	_ =	shalt  }
0x6e: {  	_ =	shalt  }
0x6f: {  	_ =	shalt  }
0x70: {  	_ =	shalt  }
0x71: {  	_ =	shalt  }
0x72: {  	_ =	shalt  }
0x73: {  	_ =	shalt  }
0x74: {  	_ =	shalt  }
0x75: {  	_ =	shalt  }
0x76: {  	_ =	shalt  }
0x77: {  	_ =	shalt  }
0x78: {  	_ =	shalt  }
0x79: {  	_ =	shalt  }
0x7a: {  	_ =	shalt  }
0x7b: {  	_ =	shalt  }
0x7c: {  	_ =	shalt  }
0x7d: {  	_ =	shalt  }
0x7e: {  	_ =	shalt  }
0x7f: {  	_ =	shalt  }
0x80: {  	_ =	shalt  }
0x81: {  	_ =	shalt  }
0x82: {  	_ =	shalt  }
0x83: {  	_ =	shalt  }
0x84: {  	_ =	shalt  }
0x85: {  	_ =	shalt  }
0x86: {  	_ =	shalt  }
0x87: {  	_ =	shalt  }
.Lfunc_end0:
.L_simem_size_0:
called_computation_lowered:
.L_overlay_start_0:
0x88: {  	s2 =	sld [smem:$0x3FD9]  }
0x89: {  	s3 =	sld [smem:$0x3FFE];
	_ =	sdelay $0x1  }
0x8a: {  	s1 =	srdreg.scid  }
0x8b: {  	s0 =	sand.u32 $0x1, s1  }
0x8c: {  	s17 =	sshll.u32 s0, $0xA;
	s2 =	sadd.s32 s3, s2  }
0x8d: {  	s2 =	sadd.s32 s2, s17  }
0x8e: {  	[smem:$0x3FC7] =	sst s2  }
0x8f: {  	_ = 	snop  }
0x90: {  	s2 =	sld [smem:$0x3FD0];
	(tm) =	ssettm $0x1  }
0x91: {  	s18 =	sld [smem:$0x3FFB];
	_ =	sdelay $0x3  }
0x92: {  	_ =	strace s18  }
0x93: {  	s3 =	sld [smem:$0x3FFC];
	_ =	sdelay $0x3  }
0x94: {  	_ =	strace s3  }
0x95: {  	s3 =	sld [smem:$0x3FFD];
	_ =	sdelay $0x3  }
0x96: {  	_ =	strace s3  }
0x97: {  	_ =	strace $0x8FFFFFFF  }
0x98: {  	s19 =	sld [smem:$0x3FDB];
	_ =	sdelay $0x1  }
0x99: {  	s4 =	simm.s32 $_scs_section_size  }
0x9a: {  	s5 =	simm.s32 $_size__tile_overlayer_lowered;
	s6 =	simm.s32 $_tile_overlayer_lowered  }
0x9b: {  	s22 =	simm.s32 $0x1BFF;
	s21 =	sshll.u32 s6, $0x1;
	s3 =	sadd.s32 s4, s19  }
0x9c: {  	s7 =	simm.s32 $0x0;
	s20 =	sshll.u32 s5, $0x1;
	s5 =	sadd.s32 s21, s3  }
0x9d: {  	[timem:s7], [sflag:s22] =	dma.local [hbm:s5], s20  }
0x9e: {  	_ =	swait.ge [sflag:s22], s20  }
0x9f: {  	s4 =	ssub.s32 $0x0, s20;
	[sflag:s22] =	ssyncset.done $0x0  }
0xa0: {  	[sflag:s22] =	ssyncadd.s32 s4;
	_ =	sdelay $0x1  }
0xa1: {  	s23 =	simm.s32 $0x1B8B  }
0xa2: {  	_ =	swait.ge [sflag:s23], $0x1  }
0xa3: {  	[sflag:s23] =	ssyncset.done $0x0  }
0xa4: {  	s25 =	simm.s32 $0x1B8E;
	s24 =	sld [smem:$0x3FFE];
	[sflag:s23] =	ssyncadd.s32 $0xFFFFFFFF  }
0xa5: {  	s26 =	simm.s32 $execute0_lowered;
	[smem:$0x3FD2] =	sst s25  }
0xa6: {  	s5 =	sshll.u32 s26, $0x1;
	_ =	strace $0x80000046;
	[dreg:$0x1] =	wrdreg $0xFFFFFFFF  }
0xa7: {  	s28 =	simm.s32 $_size_execute0_lowered;
	s3 =	sadd.s32 s3, s5;
	[dreg:$0x0] =	wrdreg $0x0  }
0xa8: {  	s5 =	sshll.u32 s28, $0x1;
	[dreg:$0x2] =	wrdreg s3  }
0xa9: {  	[dreg:$0x3] =	wrdreg s5  }
0xaa: {  	[dreg:$0x4] =	wrdreg $0xC0  }
0xab: {  	_ =	task [dreg:s7], $0x5FFFF  }
0xac: {  	[dreg:$0x1] =	wrdreg $0xFFFFFFFF  }
0xad: {  	[dreg:$0x0] =	wrdreg $0x60  }
0xae: {  	[dreg:$0x2] =	wrdreg s24  }
0xaf: {  	[dreg:$0x3] =	wrdreg s2  }
0xb0: {  	[dreg:$0x4] =	wrdreg $0xC1800  }
0xb1: {  	[dreg:$0x5] =	wrdreg $0x9  }
0xb2: {  	_ =	task.clear_ibuf [dreg:s7], $0x6FFFF;
	_ =	strace $0x90000046  }
0xb3: {  	s29 =	simm.s32 $0x9;
	_ =	strace $0x80000048  }
0xb4: {  	_ =	swait.ge [sflag:s29], $0x1  }
0xb5: {  	[sflag:s29] =	ssyncadd.s32 $0xFFFFFFFF  }
0xb6: {  	_ =	strace $0x90000048  }
0xb7: {  	_ =	sfence  }
0xb8: {  	s30 =	sld [smem:$0x0];
	_ =	sdelay $0x2  }
0xb9: {  	s31 =	sshll.u32 s1, $0xD;
	s1 =	sshrl.u32 s1, $0x2  }
0xba: {  	s3 =	sand.u32 $0x4000, s31;
	s1 =	sadd.s32 s1, s30  }
0xbb: {  	s0 =	sor.u32 s3, s0;
	s1 =	sshll.u32 s1, $0x11  }
0xbc: {  	s0 =	sor.u32 s1, s0  }
0xbd: {  	s0 =	sadd.s32 $0x8F2B, s0  }
0xbe: {  	[sflag:s0] =	ssyncadd.remote.s32 $0x1  }
0xbf: {  	_ =	sfence.sel $0xFFFF  }
0xc0: {  	[dreg:$0x0] =	wrdreg $0xFFFFFFFF;
	(pc) =	sbr.abs _section_cstart, $3  }
0xc1: {  	[dreg:$0x1] =	wrdreg $0xFFFFFFFF  }
0xc2: {  	_ =	task.clear_ibuf [dreg:s7], $0x2FFFF;
	_ =	strace $0x9FFFFFFF  }
0xc3: {  	(tm) =	ssettm $0x7FFFFFFF  }
tec
execute0_lowered:
.L_overlay_start_1:
0x0: {  	(tag) =	ssettag $0x1  }
0x1: {  	s0 =	rddreg [dreg:$0x0]  }
0x2: {  	s1 =	rddreg [dreg:$0x1]  }
0x3: {  	s2 =	rddreg [dreg:$0x2];
	s3 =	simm.s32 $0x0  }
0x4: {  	s4 =	srdreg.scid;
	s5 =	stileid.u32;
	s16 =	simm.s32 $0x4180  }
0x5: {  	s17 =	simm.s32 $0x2;
	s18 =	simm.s32 $0x2100;
	s19 =	simm.s32 $0x40  }
0x6: {  	s20 =	simm.s32 $0x2180;
	s21 =	simm.s32 $0x1;
	s22 =	simm.s32 $0x8180  }
0x7: {  	s23 =	simm.s32 $0x80;
	s24 =	simm.s32 $0x100;
	s25 =	simm.s32 $0x0  }
0x8: {  	[smem:$0x7FF] =	sst s3;
	s9 =	sand.u32 $0x1, s4;
	s4 =	sadd.s32 $0x102200, s0  }
0x9: {  	s6 =	sadd.s32 $0x82200, s0;
	s7 =	sadd.s32 $0x81200, s0;
	s8 =	sadd.s32 $0x182200, s0  }
0xa: {  	s31 =	sshll.u32 s5, $0xE;
	s12 =	sshll.u32 s5, $0x6;
	s10 =	ssub.s32 $0x2, s9  }
0xb: {  	s13 =	sadd.s32 $0x80, s1;
	_ =	strace $0x80000047;
	s11 =	sshrl.u32 s10, $0x1  }
0xc: {  	s9 =	sshll.u32 s9, $0x3;
	s30 =	ssub.s32 s10, s11;
	s10 =	sshll.u32 s5, $0x7  }
0xd: {  	s11 =	sadd.s32 s31, s2;
	s14 =	sadd.s32 $0x400, s10;
	s15 =	smax.u32 s30, $0x1  }
.LBB2_1:
0xe: {  	s26 =	simm.s32 $0x0  }
.LBB2_2:
0xf: {  	s28 =	sadd.s32 s9, s26  }
0x10: {  	s0 =	sshll.u32 s28, $0xB  }
0x11: {  	s29 =	sor.u32 s10, s0  }
0x12: {  	s29 =	sshll.u32 s29, $0x4  }
0x13: {  	s30 =	simm.s32 $0x0;
	s29 =	sadd.s32 s6, s29  }
0x14: {  	[tilespmem:s16], [sflag:$0x2] =	stream.linear.gather [hbm4b:s29+s30], $0x4000, $0x38;
	[tilespmem:$0x10180] =	vst v63  }
0x15: {  	_ =	swait.ge [sflag:s17], $0x4000  }
0x16: {  	[sflag:s17] =	ssyncset.done $0x0  }
0x17: {  	[sflag:s17] =	ssyncadd.s32 $0xFFFFC000  }
0x18: {  	[spmem:s11] =	stream.linear.scatter [tilespmem:s16], [sflag:$0x2], $0x4000, $0x38;
	[tilespmem:$0x10180] =	vst v63  }
0x19: {  	s0 =	sor.u32 s12, s0;
	_ =	swait.ge [sflag:s17], $0x4000  }
0x1a: {  	s29 =	sshrl.u32 s0, $0x3;
	[sflag:s17] =	ssyncset.done $0x0  }
0x1b: {  	s0 =	sadd.s32 s29, s13;
	[sflag:s17] =	ssyncadd.s32 $0xFFFFC000  }
0x1c: {  	[tilespmem:s18], [sflag:$0x2] =	stream.linear.gather [hbm4b:s0+s30], $0x40, $0x38;
	[tilespmem:$0x10180] =	vst v63  }
0x1d: {  	_ =	swait.ge [sflag:s17], $0x40  }
0x1e: {  	[sflag:s17] =	ssyncset.done $0x0  }
0x1f: {  	[sflag:s17] =	ssyncadd.s32 $0xFFFFFFC0  }
0x20: {  	[tilespmem:s20], [sflag:$0x1] =	stream.indirect.gather [hbm4b:s4+s19], $0x80, s18, s19, $0xb8;
	[tilespmem:$0x10180] =	vst v63  }
0x21: {  	_ =	swait.ge [sflag:s21], $0x2000  }
0x22: {  	[sflag:s21] =	ssyncset.done $0x0  }
0x23: {  	s0 =	simm.s32 $0x0;
	[sflag:s21] =	ssyncadd.s32 $0xFFFFE000  }
0x24: {  	v1 =	vld [tilespmem:s0+$0x21B0]  }
0x25: {  	v2 =	vld [tilespmem:s0+$0x2180]  }
0x26: {  	v0 =	vld [tilespmem:s0+$0x2190]  }
0x27: {  	s30 =	simm.s32 $0x200;
	v3 =	vld [tilespmem:s0+$0x21A0]  }
.LBB2_3:
0x28: {  	p0 =	sne.s32 s30, $0x7E00  }
.Ltmp0:
0x29: {  	s31 =	sshra.s32 s30, $0x2;
	s30 =	sadd.s32 $0x200, s30;
	[tilespmem:s0+$0x81B0] =	vst v1;
	(pc) =	sbr.rel @p0 .LBB2_3-.Ltmp0, $4  }
0x2a: {  	v1 =	vld [tilespmem:s31+$0x21B0];
	[tilespmem:s0+$0x8180] =	vst v2  }
0x2b: {  	v2 =	vld [tilespmem:s31+$0x2180];
	[tilespmem:s0+$0x8190] =	vst v0  }
0x2c: {  	v0 =	vld [tilespmem:s31+$0x2190];
	[tilespmem:s0+$0x81A0] =	vst v3;
	s0 =	smov.u32 s31  }
0x2d: {  	v3 =	vld [tilespmem:s0+$0x21A0]  }
0x2e: {  	s28 =	smul.u32 $0xC00, s28  }
0x2f: {  	[tilespmem:s0+$0x81B0] =	vst v1  }
0x30: {  	[tilespmem:s0+$0x8180] =	vst v2;
	s30 =	sor.u32 s12, s28  }
0x31: {  	[tilespmem:s0+$0x8190] =	vst v0;
	s30 =	sshll.u32 s30, $0x4  }
0x32: {  	[tilespmem:s0+$0x81A0] =	vst v3;
	s5 =	sadd.s32 s8, s30;
	s30 =	simm.s32 $0x0  }
0x33: {  	[hbm4b:s5+s30] =	stream.linear.scatter [tilespmem:s22], [sflag:$0x2], $0x2000, $0x38;
	[tilespmem:$0x10180] =	vst v63  }
0x34: {  	_ =	swait.ge [sflag:s17], $0x2000  }
0x35: {  	[sflag:s17] =	ssyncset.done $0x0  }
0x36: {  	[sflag:s17] =	ssyncadd.s32 $0xFFFFE000  }
0x37: {  	s5 =	sadd.s32 s1, s29;
	[bflag:$0x0] =	sbarrier.arrive $0xFFFF  }
0x38: {  	[tilespmem:s30], [sflag:$0x2] =	stream.linear.gather [hbm4b:s5+s30], $0x40, $0x38;
	[tilespmem:$0x10180] =	vst v63  }
0x39: {  	_ =	swait.ge [sflag:s17], $0x40  }
0x3a: {  	[sflag:s17] =	ssyncset.done $0x0  }
0x3b: {  	s5 =	sadd.s32 s7, s29;
	[sflag:s17] =	ssyncadd.s32 $0xFFFFFFC0  }
0x3c: {  	[tilespmem:s23], [sflag:$0x2] =	stream.linear.gather [hbm4b:s5+s30], $0x40, $0x38;
	[tilespmem:$0x10180] =	vst v63  }
0x3d: {  	_ =	swait.ge [sflag:s17], $0x40  }
0x3e: {  	[sflag:s17] =	ssyncset.done $0x0  }
0x3f: {  	[sflag:s17] =	ssyncadd.s32 $0xFFFFFFC0  }
0x40: {  	[tilespmem:s24], [sflag:$0x1] =	stream.indirect.gather [hbm4b:s4+s19], $0x80, s30, s19, $0xb8;
	[tilespmem:$0x10180] =	vst v63  }
0x41: {  	_ =	swait.ge [sflag:s21], $0x2000  }
0x42: {  	[sflag:s21] =	ssyncset.done $0x0  }
0x43: {  	[sflag:s21] =	ssyncadd.s32 $0xFFFFE000  }
0x44: {  	[spmem:s2] =	stream.indirect.scatter.add.f32 [tilespmem:s24], [sflag:$0x2], $0x80, s23, s19, $0xb8;
	[tilespmem:$0x10180] =	vst v63  }
0x45: {  	_ =	swait.ge [sflag:s17], $0x2000  }
0x46: {  	[sflag:s17] =	ssyncset.done $0x0  }
0x47: {  	[sflag:s17] =	ssyncadd.s32 $0xFFFFE000  }
0x48: {  	[bflag:$0x0] =	sbarrier.arrive $0xFFFF  }
0x49: {  	[tilespmem:s16], [sflag:$0x2] =	stream.linear.gather [spmem:s11], $0x4000, $0x38;
	[tilespmem:$0x10180] =	vst v63  }
0x4a: {  	_ =	swait.ge [sflag:s17], $0x4000  }
0x4b: {  	[sflag:s17] =	ssyncset.done $0x0  }
0x4c: {  	s31 =	simm.s32 $0x0;
	[sflag:s17] =	ssyncadd.s32 $0xFFFFC000  }
0x4d: {  	v0 =	vld [tilespmem:s31+$0x41C0];
	_ =	sdelay $0x4  }
0x4e: {  	(erf) = vrcp.f32 v0;
	_ =	sdelay $0x1  }
0x4f: {  	v6 =	vld [tilespmem:s31+$0x4180]  }
0x50: {  	s30 =	simm.s32 $0x80;
	v7 =	vld [tilespmem:s31+$0x4190]  }
0x51: {  	v2 =	vld [tilespmem:s30+$0x41C0]  }
0x52: {  	v8 =	vld [tilespmem:s31+$0x41A0]  }
0x53: {  	v3 =	vld [tilespmem:s30+$0x4180]  }
0x54: {  	v5 =	vld [tilespmem:s30+$0x4190]  }
0x55: {  	v4 =	vld [tilespmem:s30+$0x41A0]  }
0x56: {  	s29 =	simm.s32 $0x100;
	v9 =	vld [tilespmem:s31+$0x41B0];
	v11 =	vpop (erf);
	(erf) = vrcp.f32 v2  }
0x57: {  	v10 =	vld [tilespmem:s29+$0x41C0]  }
0x58: {  	v0 =	vld [tilespmem:s29+$0x4180]  }
0x59: {  	v1 =	vld [tilespmem:s29+$0x4190]  }
0x5a: {  	v2 =	vld [tilespmem:s29+$0x41A0];
	v11 =	vbroadcast v11, $0x0  }
0x5b: {  	s0 =	simm.s32 $0x600  }
.LBB2_5:
0x5c: {  	s5 =	sshra.s32 s0, $0x2;
	p0 =	sne.s32 s0, $0xFE00;
	s0 =	sadd.s32 $0x200, s0;
	(erf) = vrcp.f32 v10;
	v12 =	vmul.f32 v9, v11;
	v9 =	vld [tilespmem:s30+$0x41B0]  }
.Ltmp1:
0x5d: {  	v13 =	vmul.f32 v11, v6;
	v14 =	vmul.f32 v7, v11;
	v6 =	vmovc v3;
	v7 =	vmovc v5;
	v10 =	vld [tilespmem:s5+$0x41C0];
	v3 =	vmov v0;
	(pc) =	sbr.rel @p0 .LBB2_5-.Ltmp1, $4  }
0x5e: {  	v15 =	vmul.f32 v8, v11;
	v8 =	vmov v4;
	v0 =	vld [tilespmem:s5+$0x4180];
	[tilespmem:s31+$0x81B0] =	vst v12;
	v5 =	vmov v1  }
0x5f: {  	v1 =	vld [tilespmem:s5+$0x4190];
	v11 =	vpop (erf);
	[tilespmem:s31+$0x8180] =	vst v13;
	v4 =	vmov v2  }
0x60: {  	v2 =	vld [tilespmem:s5+$0x41A0];
	v11 =	vbroadcast v11, $0x0;
	[tilespmem:s31+$0x8190] =	vst v14  }
0x61: {  	[tilespmem:s31+$0x81A0] =	vst v15;
	s31 =	smov.u32 s30;
	s30 =	smov.u32 s29;
	s29 =	smov.u32 s5  }
0x62: {  	(erf) = vrcp.f32 v10  }
0x63: {  	v9 =	vmul.f32 v9, v11  }
0x64: {  	v6 =	vmul.f32 v11, v6  }
0x65: {  	v58 =	vld [tilespmem:s30+$0x41B0];
	v7 =	vmul.f32 v7, v11;
	[tilespmem:s31+$0x81B0] =	vst v9  }
0x66: {  	v8 =	vmul.f32 v8, v11;
	[tilespmem:s31+$0x8180] =	vst v6  }
0x67: {  	[tilespmem:s31+$0x8190] =	vst v7;
	v59 =	vpop (erf)  }
0x68: {  	[tilespmem:s31+$0x81A0] =	vst v8;
	v6 =	vbroadcast v59, $0x0  }
0x69: {  	v7 =	vld [tilespmem:s29+$0x41B0]  }
0x6a: {  	v60 =	vmul.f32 v58, v6  }
0x6b: {  	v3 =	vmul.f32 v6, v3;
	v61 =	vpop (erf)  }
0x6c: {  	v5 =	vmul.f32 v5, v6;
	[tilespmem:s30+$0x81B0] =	vst v60;
	v62 =	vbroadcast v61, $0x0  }
0x6d: {  	v4 =	vmul.f32 v4, v6;
	[tilespmem:s30+$0x8180] =	vst v3  }
0x6e: {  	[tilespmem:s30+$0x8190] =	vst v5;
	v63 =	vmul.f32 v7, v62  }
0x6f: {  	[tilespmem:s30+$0x81A0] =	vst v4;
	v0 =	vmul.f32 v62, v0  }
0x70: {  	v1 =	vmul.f32 v1, v62;
	[tilespmem:s29+$0x81B0] =	vst v63  }
0x71: {  	s0 =	sadd.s32 s28, s14;
	v2 =	vmul.f32 v2, v62;
	[tilespmem:s29+$0x8180] =	vst v0  }
0x72: {  	s26 =	sadd.s32 $0x1, s26;
	s0 =	sshll.u32 s0, $0x4;
	[tilespmem:s29+$0x8190] =	vst v1  }
0x73: {  	p0 =	sne.s32 s26, $0x8;
	s0 =	sadd.s32 s8, s0;
	[tilespmem:s29+$0x81A0] =	vst v2  }
0x74: {  	[hbm4b:s0+s3] =	stream.linear.scatter [tilespmem:s22], [sflag:$0x2], $0x4000, $0x38;
	[tilespmem:$0x10180] =	vst v63  }
.Ltmp2:
0x75: {  	_ =	swait.ge [sflag:s17], $0x4000;
	(pc) =	sbr.rel @p0 .LBB2_2-.Ltmp2, $3  }
0x76: {  	[sflag:s17] =	ssyncset.done $0x0  }
0x77: {  	[sflag:s17] =	ssyncadd.s32 $0xFFFFC000  }
0x78: {  	[bflag:$0x0] =	sbarrier.arrive $0xFFFF;
	_ =	sdelay $0x1  }
0x79: {  	s25 =	sadd.s32 $0x1, s25  }
0x7a: {  	p0 =	sne.s32 s25, s15  }
.Ltmp3:
0x7b: {  	_ = 	snop;
	(pc) =	sbr.rel @p0 .LBB2_1-.Ltmp3, $1  }
0x7c: {  	_ =	sdelay $0x3  }
0x7d: {  	_ =	sfence.sel $0x180000  }
0x7e: {  	[bflag:$0x0] =	sbarrier.arrive $0xFFFF  }
0x7f: {  	_ =	strace $0x90000047  }
0x80: {  	s0 =	stileid.u32;
	[bflag:$0x2] =	sbarrier.arrive $0xFFFF  }
0x81: {  	p0 =	sne.s32 s0, $0x0;
	s0 =	rddreg [dreg:$0x3]  }
0x82: {  	s0 =	sadd.s32 @!p0 $0x100000, s0  }
0x83: {  	[sflag:s0] =	ssyncadd.tile.s32 @!p0 $0x1;
	_ =	shalt  }
.Lfunc_end2:
_tile_overlayer_lowered:
.L_overlay_start_2:
0x84: {  	(tag) =	ssettag $0x2  }
0x85: {  	s0 =	rddreg [dreg:$0x0];
	s2 =	stileid.u32  }
0x86: {  	s1 =	rddreg [dreg:$0x1];
	p0 =	sne.s32 s2, $0x0  }
0x87: {  	s3 =	rddreg [dreg:$0x2];
	[bflag:$0x3] =	sbarrier.arrive $0xFFFF;
	s2 =	simm.s32 @!p0 $0x1C02  }
0x88: {  	[timem:s3], [sflag:s2] =	dma.local @!p0 [hbm:s0], s1  }
0x89: {  	s0 =	simm.s32 @!p0 $0x2  }
0x8a: {  	_ =	swait.ge @!p0 [sflag:s0], s1  }
0x8b: {  	s1 =	ssub.s32 @!p0 $0x0, s1;
	[sflag:s0] =	ssyncset.done @!p0 $0x0  }
0x8c: {  	[sflag:s0] =	ssyncadd.s32 @!p0 s1  }
0x8d: {  	[bflag:$0x3] =	sbarrier.arrive $0xFFFF  }
0x8e: {  	_ =	shalt  }

</sc_bundles>
